<compile_context>
chip_gen: v7x
topology: tpu7x:2x2x1
jax: 0.10.2.dev20260603
libtpu: 0.0.44.dev20260713+nightly
codegen_flags: <defaults>
</compile_context>

<pallas_src>
import functools

import jax
import jax.numpy as jnp
from jax import lax
from jax.experimental import pallas as pl
from jax.experimental.pallas import tpu as pltpu
from jax.experimental.pallas import tpu_sc as plsc

DIM = 64
PDIM = 128
N_HEADS = 26
BATCH = 16384
N_ROWS = BATCH * N_HEADS
NC, NS, L = 2, 16, 16
NW = NC * NS
ROWS_PER_W = N_ROWS // NW
CHUNK = 128
N_CHUNKS = ROWS_PER_W // CHUNK
VREGS_PER_CHUNK = CHUNK // L
NBUF = 4
N_GROUPS = N_CHUNKS // NBUF


def _sc_gather(ids_hbm, offs_hbm, table_hbm, out_hbm,
               idx_v, offs_v, rows_v, gsem, osem):
    wid = lax.axis_index("s") * NC + lax.axis_index("c")
    pltpu.sync_copy(ids_hbm.at[wid], idx_v)
    pltpu.sync_copy(offs_hbm, offs_v)
    out_base = wid * ROWS_PER_W

    def add_offsets(j):
        for k in range(VREGS_PER_CHUNK):
            sl = pl.ds(k * L, L)
            idx_v[j, sl] = idx_v[j, sl] + offs_v[j, sl]

    def gather(j, b):
        return pltpu.make_async_copy(
            table_hbm.at[idx_v.at[j]], rows_v.at[b], gsem.at[b])

    def writeback(j, b):
        return pltpu.make_async_copy(
            rows_v.at[b, :, pl.ds(0, DIM)],
            out_hbm.at[pl.ds(out_base + j * CHUNK, CHUNK)],
            osem.at[b])

    for b in range(NBUF):
        add_offsets(b)
        gather(b, b).start()

    def group_body(g, carry):
        for b in range(NBUF):
            j = g * NBUF + b
            gather(j, b).wait()
            writeback(j, b).start()
            jn = j + NBUF
            add_offsets(jn)
            writeback(j, b).wait()
            gather(jn, b).start()
        return carry

    lax.fori_loop(0, N_GROUPS - 1, group_body, 0)

    for b in range(NBUF):
        j = (N_GROUPS - 1) * NBUF + b
        gather(j, b).wait()
        writeback(j, b).start()
    for b in range(NBUF):
        j = (N_GROUPS - 1) * NBUF + b
        writeback(j, b).wait()


@jax.jit
def _run(ids, offs_tiled, table_padded):
    mesh = plsc.VectorSubcoreMesh(core_axis_name="c", subcore_axis_name="s")
    f = pl.kernel(
        _sc_gather,
        out_type=jax.ShapeDtypeStruct((N_ROWS, DIM), jnp.float32),
        mesh=mesh,
        scratch_types=[
            pltpu.VMEM((N_CHUNKS, CHUNK), jnp.int32),
            pltpu.VMEM((N_CHUNKS, CHUNK), jnp.int32),
            pltpu.VMEM((NBUF, CHUNK, PDIM), jnp.float32),
            pltpu.SemaphoreType.DMA((NBUF,)),
            pltpu.SemaphoreType.DMA((NBUF,)),
        ],
        compiler_params=pltpu.CompilerParams(use_tc_tiling_on_sc=False),
    )
    return f(ids, offs_tiled, table_padded)


def kernel(input_ids, offsets, table):
    ids = input_ids.astype(jnp.int32).reshape(NW, N_CHUNKS, CHUNK)
    offs_tiled = jnp.tile(offsets.astype(jnp.int32),
                          ROWS_PER_W // N_HEADS).reshape(N_CHUNKS, CHUNK)
    tpad = jnp.pad(table.astype(jnp.float32), ((0, 0), (0, PDIM - DIM)))
    out = _run(ids, offs_tiled, tpad)
    return out.reshape(BATCH, N_HEADS, DIM)

# --- scband reference (transcript-rebuilt; emitter-appended) ---
"""Pipeline reference for scband-multi-head-embedding-49065706390258 (READ-ONLY COPY).

The authoritative reference and input builder live on the scoring server;
editing this copy changes nothing except your own understanding.
"""

import jax, jax.numpy as jnp
import numpy as np

LIST_OF_N = [100000] * 26
DIM = 64
BATCH = 16384

def setup_inputs(seed: int = 0) -> dict:
    key = jax.random.key(seed)
    k1, k2 = jax.random.split(key)
    input_ids = jax.random.randint(k1, (BATCH, len(LIST_OF_N)), 0, min(LIST_OF_N))
    offsets_np = np.concatenate([[0], np.cumsum(LIST_OF_N[:-1])]).astype(np.int32)
    offsets = jnp.asarray(offsets_np)
    table = jax.random.normal(k2, (int(sum(LIST_OF_N)), DIM), dtype=jnp.float32)
    return {"input_ids": input_ids, "offsets": offsets, "table": table}

def reference(input_ids, offsets, table):
    # Faithful translation of MultiHeadEmbedding.forward:
    # shift per-head local ids into the concatenated table, then gather rows.
    shifted = input_ids + offsets  # broadcast offsets over last dim (heads)
    return jnp.take(table, shifted, axis=0)  # [BATCH, n_heads, DIM]

if __name__ == "__main__":
    import jax
    _d = setup_inputs()
    print(jax.jit(kernel)(*tuple(_d.values())))

</pallas_src>

<mosaic_0001>
#map = affine_map<(d0, d1) -> (0, 0, 0)>
#map1 = affine_map<(d0, d1) -> (0, 0)>
module attributes {stable_mosaic.version = 14 : i64} {
  func.func @_sc_gather(%arg0: i32, %arg1: i32, %arg2: memref<32x104x128xi32, #tpu.memory_space<hbm>>, %arg3: memref<104x128xi32, #tpu.memory_space<hbm>>, %arg4: memref<2600000x128xf32, #tpu.memory_space<hbm>>, %arg5: memref<425984x64xf32, #tpu.memory_space<hbm>>, %arg6: memref<104x128xi32, #tpu.memory_space<vmem>>, %arg7: memref<104x128xi32, #tpu.memory_space<vmem>>, %arg8: memref<4x128x128xf32, #tpu.memory_space<vmem>>, %arg9: memref<4x!tpu.dma_semaphore, #tpu.memory_space<semaphore_mem>>, %arg10: memref<4x!tpu.dma_semaphore, #tpu.memory_space<semaphore_mem>>) attributes {dimension_semantics = [#tpu.dimension_semantics<core_parallel>, #tpu.dimension_semantics<subcore_parallel>], iteration_bounds = array<i64: 2, 16>, scalar_prefetch = 0 : i64, scratch_operands = 5 : i64, tpu.core_type = #tpu.core_type<sc_vector_subcore>, window_params = [{transform_indices = #map}, {transform_indices = #map1}, {transform_indices = #map1}, {transform_indices = #map1}]} {
    %mul3A = arith.constant 2 : i32
    %mul3A_0 = arith.muli %arg1, %mul3A : i32
    %add3A = arith.addi %mul3A_0, %arg0 : i32
    "tpu.region"() ({
      %run_scoped3A = tpu.sem_alloc : memref<!tpu.dma_semaphore, #tpu.memory_space<semaphore_mem>>
      %dma_start3A_812 = arith.constant 0 : i32
      %dma_start3A_813 = arith.constant 0 : i32
      %dma_start3A_814 = tpu.memref_slice %arg2[%add3A, %dma_start3A_812, %dma_start3A_813] : memref<32x104x128xi32, #tpu.memory_space<hbm>> -> memref<1x104x128xi32, #tpu.memory_space<hbm>>
      %dma_start3A_815 = tpu.memref_squeeze %dma_start3A_814 : memref<1x104x128xi32, #tpu.memory_space<hbm>> -> memref<104x128xi32, #tpu.memory_space<hbm>>
      %dma_start3A_816 = arith.constant 0 : i32
      %dma_start3A_817 = arith.constant 0 : i32
      %dma_start3A_818 = tpu.memref_slice %arg2[%add3A, %dma_start3A_816, %dma_start3A_817] : memref<32x104x128xi32, #tpu.memory_space<hbm>> -> memref<1x104x128xi32, #tpu.memory_space<hbm>>
      %dma_start3A_819 = tpu.memref_squeeze %dma_start3A_818 : memref<1x104x128xi32, #tpu.memory_space<hbm>> -> memref<104x128xi32, #tpu.memory_space<hbm>>
      tpu.enqueue_dma source(%dma_start3A_819 : memref<104x128xi32, #tpu.memory_space<hbm>>) target(%arg6 : memref<104x128xi32, #tpu.memory_space<vmem>>) target_semaphore(%run_scoped3A : memref<!tpu.dma_semaphore, #tpu.memory_space<semaphore_mem>>)
      %dma_wait3A_820 = arith.constant 0 : i32
      %dma_wait3A_821 = arith.constant 0 : i32
      %dma_wait3A_822 = tpu.memref_slice %arg2[%add3A, %dma_wait3A_820, %dma_wait3A_821] : memref<32x104x128xi32, #tpu.memory_space<hbm>> -> memref<1x104x128xi32, #tpu.memory_space<hbm>>
      %dma_wait3A_823 = tpu.memref_squeeze %dma_wait3A_822 : memref<1x104x128xi32, #tpu.memory_space<hbm>> -> memref<104x128xi32, #tpu.memory_space<hbm>>
      %dma_wait3A_824 = arith.constant 0 : i32
      %dma_wait3A_825 = arith.constant 0 : i32
      %dma_wait3A_826 = tpu.memref_slice %arg2[%add3A, %dma_wait3A_824, %dma_wait3A_825] : memref<32x104x128xi32, #tpu.memory_space<hbm>> -> memref<1x104x128xi32, #tpu.memory_space<hbm>>
      %dma_wait3A_827 = tpu.memref_squeeze %dma_wait3A_826 : memref<1x104x128xi32, #tpu.memory_space<hbm>> -> memref<104x128xi32, #tpu.memory_space<hbm>>
      tpu.wait_dma2 semaphore(%run_scoped3A : memref<!tpu.dma_semaphore, #tpu.memory_space<semaphore_mem>>) src(%dma_wait3A_827 : memref<104x128xi32, #tpu.memory_space<hbm>>) dst(%arg6 : memref<104x128xi32, #tpu.memory_space<vmem>>)
      tpu.yield
    }) : () -> ()
    "tpu.region"() ({
      %run_scoped3A = tpu.sem_alloc : memref<!tpu.dma_semaphore, #tpu.memory_space<semaphore_mem>>
      tpu.enqueue_dma source(%arg3 : memref<104x128xi32, #tpu.memory_space<hbm>>) target(%arg7 : memref<104x128xi32, #tpu.memory_space<vmem>>) target_semaphore(%run_scoped3A : memref<!tpu.dma_semaphore, #tpu.memory_space<semaphore_mem>>)
      tpu.wait_dma2 semaphore(%run_scoped3A : memref<!tpu.dma_semaphore, #tpu.memory_space<semaphore_mem>>) src(%arg3 : memref<104x128xi32, #tpu.memory_space<hbm>>) dst(%arg7 : memref<104x128xi32, #tpu.memory_space<vmem>>)
      tpu.yield
    }) : () -> ()
    %mul3A_1 = arith.constant 13312 : i32
    %mul3A_2 = arith.muli %add3A, %mul3A_1 : i32
    %get3A = arith.constant 0 : i32
    %get3A_3 = arith.index_cast %get3A : i32 to index
    %get3A_4 = arith.constant 0 : index
    %get3A_5 = tpu.vector_load %arg6[%get3A_3, %get3A_4] {strides = array<i32>} : memref<104x128xi32, #tpu.memory_space<vmem>>, vector<1x16xi32>,
    %get3A_6 = vector.shape_cast %get3A_5 : vector<1x16xi32> to vector<16xi32>
    %get3A_7 = arith.constant 0 : i32
    %get3A_8 = arith.index_cast %get3A_7 : i32 to index
    %get3A_9 = arith.constant 0 : index
    %get3A_10 = tpu.vector_load %arg7[%get3A_8, %get3A_9] {strides = array<i32>} : memref<104x128xi32, #tpu.memory_space<vmem>>, vector<1x16xi32>,
    %get3A_11 = vector.shape_cast %get3A_10 : vector<1x16xi32> to vector<16xi32>
    %add3A_12 = arith.addi %get3A_6, %get3A_11 : vector<16xi32>
    %swap3A = arith.constant 0 : i32
    %swap3A_13 = arith.index_cast %swap3A : i32 to index
    %swap3A_14 = arith.constant 0 : index
    %swap3A_15 = tpu.vector_load %arg6[%swap3A_13, %swap3A_14] {strides = array<i32>} : memref<104x128xi32, #tpu.memory_space<vmem>>, vector<1x16xi32>,
    %swap3A_16 = vector.shape_cast %swap3A_15 : vector<1x16xi32> to vector<16xi32>
    %swap3A_17 = vector.shape_cast %add3A_12 : vector<16xi32> to vector<1x16xi32>
    tpu.vector_store %arg6[%swap3A_13, %swap3A_14], %swap3A_17 {strides = array<i32>} : memref<104x128xi32, #tpu.memory_space<vmem>>, vector<1x16xi32>,
    %get3A_18 = arith.constant 0 : i32
    %get3A_19 = arith.index_cast %get3A_18 : i32 to index
    %get3A_20 = arith.constant 16 : index
    %get3A_21 = tpu.vector_load %arg6[%get3A_19, %get3A_20] {strides = array<i32>} : memref<104x128xi32, #tpu.memory_space<vmem>>, vector<1x16xi32>,
    %get3A_22 = vector.shape_cast %get3A_21 : vector<1x16xi32> to vector<16xi32>
    %get3A_23 = arith.constant 0 : i32
    %get3A_24 = arith.index_cast %get3A_23 : i32 to index
    %get3A_25 = arith.constant 16 : index
    %get3A_26 = tpu.vector_load %arg7[%get3A_24, %get3A_25] {strides = array<i32>} : memref<104x128xi32, #tpu.memory_space<vmem>>, vector<1x16xi32>,
    %get3A_27 = vector.shape_cast %get3A_26 : vector<1x16xi32> to vector<16xi32>
    %add3A_28 = arith.addi %get3A_22, %get3A_27 : vector<16xi32>
    %swap3A_29 = arith.constant 0 : i32
    %swap3A_30 = arith.index_cast %swap3A_29 : i32 to index
    %swap3A_31 = arith.constant 16 : index
    %swap3A_32 = tpu.vector_load %arg6[%swap3A_30, %swap3A_31] {strides = array<i32>} : memref<104x128xi32, #tpu.memory_space<vmem>>, vector<1x16xi32>,
    %swap3A_33 = vector.shape_cast %swap3A_32 : vector<1x16xi32> to vector<16xi32>
    %swap3A_34 = vector.shape_cast %add3A_28 : vector<16xi32> to vector<1x16xi32>
    tpu.vector_store %arg6[%swap3A_30, %swap3A_31], %swap3A_34 {strides = array<i32>} : memref<104x128xi32, #tpu.memory_space<vmem>>, vector<1x16xi32>,
    %get3A_35 = arith.constant 0 : i32
    %get3A_36 = arith.index_cast %get3A_35 : i32 to index
    %get3A_37 = arith.constant 32 : index
    %get3A_38 = tpu.vector_load %arg6[%get3A_36, %get3A_37] {strides = array<i32>} : memref<104x128xi32, #tpu.memory_space<vmem>>, vector<1x16xi32>,
    %get3A_39 = vector.shape_cast %get3A_38 : vector<1x16xi32> to vector<16xi32>
    %get3A_40 = arith.constant 0 : i32
    %get3A_41 = arith.index_cast %get3A_40 : i32 to index
    %get3A_42 = arith.constant 32 : index
    %get3A_43 = tpu.vector_load %arg7[%get3A_41, %get3A_42] {strides = array<i32>} : memref<104x128xi32, #tpu.memory_space<vmem>>, vector<1x16xi32>,
    %get3A_44 = vector.shape_cast %get3A_43 : vector<1x16xi32> to vector<16xi32>
    %add3A_45 = arith.addi %get3A_39, %get3A_44 : vector<16xi32>
    %swap3A_46 = arith.constant 0 : i32
    %swap3A_47 = arith.index_cast %swap3A_46 : i32 to index
    %swap3A_48 = arith.constant 32 : index
    %swap3A_49 = tpu.vector_load %arg6[%swap3A_47, %swap3A_48] {strides = array<i32>} : memref<104x128xi32, #tpu.memory_space<vmem>>, vector<1x16xi32>,
    %swap3A_50 = vector.shape_cast %swap3A_49 : vector<1x16xi32> to vector<16xi32>
    %swap3A_51 = vector.shape_cast %add3A_45 : vector<16xi32> to vector<1x16xi32>
    tpu.vector_store %arg6[%swap3A_47, %swap3A_48], %swap3A_51 {strides = array<i32>} : memref<104x128xi32, #tpu.memory_space<vmem>>, vector<1x16xi32>,
    %get3A_52 = arith.constant 0 : i32
    %get3A_53 = arith.index_cast %get3A_52 : i32 to index
    %get3A_54 = arith.constant 48 : index
    %get3A_55 = tpu.vector_load %arg6[%get3A_53, %get3A_54] {strides = array<i32>} : memref<104x128xi32, #tpu.memory_space<vmem>>, vector<1x16xi32>,
    %get3A_56 = vector.shape_cast %get3A_55 : vector<1x16xi32> to vector<16xi32>
    %get3A_57 = arith.constant 0 : i32
    %get3A_58 = arith.index_cast %get3A_57 : i32 to index
    %get3A_59 = arith.constant 48 : index
    %get3A_60 = tpu.vector_load %arg7[%get3A_58, %get3A_59] {strides = array<i32>} : memref<104x128xi32, #tpu.memory_space<vmem>>, vector<1x16xi32>,
    %get3A_61 = vector.shape_cast %get3A_60 : vector<1x16xi32> to vector<16xi32>
    %add3A_62 = arith.addi %get3A_56, %get3A_61 : vector<16xi32>
    %swap3A_63 = arith.constant 0 : i32
    %swap3A_64 = arith.index_cast %swap3A_63 : i32 to index
    %swap3A_65 = arith.constant 48 : index
    %swap3A_66 = tpu.vector_load %arg6[%swap3A_64, %swap3A_65] {strides = array<i32>} : memref<104x128xi32, #tpu.memory_space<vmem>>, vector<1x16xi32>,
    %swap3A_67 = vector.shape_cast %swap3A_66 : vector<1x16xi32> to vector<16xi32>
    %swap3A_68 = vector.shape_cast %add3A_62 : vector<16xi32> to vector<1x16xi32>
    tpu.vector_store %arg6[%swap3A_64, %swap3A_65], %swap3A_68 {strides = array<i32>} : memref<104x128xi32, #tpu.memory_space<vmem>>, vector<1x16xi32>,
    %get3A_69 = arith.constant 0 : i32
    %get3A_70 = arith.index_cast %get3A_69 : i32 to index
    %get3A_71 = arith.constant 64 : index
    %get3A_72 = tpu.vector_load %arg6[%get3A_70, %get3A_71] {strides = array<i32>} : memref<104x128xi32, #tpu.memory_space<vmem>>, vector<1x16xi32>,
    %get3A_73 = vector.shape_cast %get3A_72 : vector<1x16xi32> to vector<16xi32>
    %get3A_74 = arith.constant 0 : i32
    %get3A_75 = arith.index_cast %get3A_74 : i32 to index
    %get3A_76 = arith.constant 64 : index
    %get3A_77 = tpu.vector_load %arg7[%get3A_75, %get3A_76] {strides = array<i32>} : memref<104x128xi32, #tpu.memory_space<vmem>>, vector<1x16xi32>,
    %get3A_78 = vector.shape_cast %get3A_77 : vector<1x16xi32> to vector<16xi32>
    %add3A_79 = arith.addi %get3A_73, %get3A_78 : vector<16xi32>
    %swap3A_80 = arith.constant 0 : i32
    %swap3A_81 = arith.index_cast %swap3A_80 : i32 to index
    %swap3A_82 = arith.constant 64 : index
    %swap3A_83 = tpu.vector_load %arg6[%swap3A_81, %swap3A_82] {strides = array<i32>} : memref<104x128xi32, #tpu.memory_space<vmem>>, vector<1x16xi32>,
    %swap3A_84 = vector.shape_cast %swap3A_83 : vector<1x16xi32> to vector<16xi32>
    %swap3A_85 = vector.shape_cast %add3A_79 : vector<16xi32> to vector<1x16xi32>
    tpu.vector_store %arg6[%swap3A_81, %swap3A_82], %swap3A_85 {strides = array<i32>} : memref<104x128xi32, #tpu.memory_space<vmem>>, vector<1x16xi32>,
    %get3A_86 = arith.constant 0 : i32
    %get3A_87 = arith.index_cast %get3A_86 : i32 to index
    %get3A_88 = arith.constant 80 : index
    %get3A_89 = tpu.vector_load %arg6[%get3A_87, %get3A_88] {strides = array<i32>} : memref<104x128xi32, #tpu.memory_space<vmem>>, vector<1x16xi32>,
    %get3A_90 = vector.shape_cast %get3A_89 : vector<1x16xi32> to vector<16xi32>
    %get3A_91 = arith.constant 0 : i32
    %get3A_92 = arith.index_cast %get3A_91 : i32 to index
    %get3A_93 = arith.constant 80 : index
    %get3A_94 = tpu.vector_load %arg7[%get3A_92, %get3A_93] {strides = array<i32>} : memref<104x128xi32, #tpu.memory_space<vmem>>, vector<1x16xi32>,
    %get3A_95 = vector.shape_cast %get3A_94 : vector<1x16xi32> to vector<16xi32>
    %add3A_96 = arith.addi %get3A_90, %get3A_95 : vector<16xi32>
    %swap3A_97 = arith.constant 0 : i32
    %swap3A_98 = arith.index_cast %swap3A_97 : i32 to index
    %swap3A_99 = arith.constant 80 : index
    %swap3A_100 = tpu.vector_load %arg6[%swap3A_98, %swap3A_99] {strides = array<i32>} : memref<104x128xi32, #tpu.memory_space<vmem>>, vector<1x16xi32>,
    %swap3A_101 = vector.shape_cast %swap3A_100 : vector<1x16xi32> to vector<16xi32>
    %swap3A_102 = vector.shape_cast %add3A_96 : vector<16xi32> to vector<1x16xi32>
    tpu.vector_store %arg6[%swap3A_98, %swap3A_99], %swap3A_102 {strides = array<i32>} : memref<104x128xi32, #tpu.memory_space<vmem>>, vector<1x16xi32>,
    %get3A_103 = arith.constant 0 : i32
    %get3A_104 = arith.index_cast %get3A_103 : i32 to index
    %get3A_105 = arith.constant 96 : index
    %get3A_106 = tpu.vector_load %arg6[%get3A_104, %get3A_105] {strides = array<i32>} : memref<104x128xi32, #tpu.memory_space<vmem>>, vector<1x16xi32>,
    %get3A_107 = vector.shape_cast %get3A_106 : vector<1x16xi32> to vector<16xi32>
    %get3A_108 = arith.constant 0 : i32
    %get3A_109 = arith.index_cast %get3A_108 : i32 to index
    %get3A_110 = arith.constant 96 : index
    %get3A_111 = tpu.vector_load %arg7[%get3A_109, %get3A_110] {strides = array<i32>} : memref<104x128xi32, #tpu.memory_space<vmem>>, vector<1x16xi32>,
    %get3A_112 = vector.shape_cast %get3A_111 : vector<1x16xi32> to vector<16xi32>
    %add3A_113 = arith.addi %get3A_107, %get3A_112 : vector<16xi32>
    %swap3A_114 = arith.constant 0 : i32
    %swap3A_115 = arith.index_cast %swap3A_114 : i32 to index
    %swap3A_116 = arith.constant 96 : index
    %swap3A_117 = tpu.vector_load %arg6[%swap3A_115, %swap3A_116] {strides = array<i32>} : memref<104x128xi32, #tpu.memory_space<vmem>>, vector<1x16xi32>,
    %swap3A_118 = vector.shape_cast %swap3A_117 : vector<1x16xi32> to vector<16xi32>
    %swap3A_119 = vector.shape_cast %add3A_113 : vector<16xi32> to vector<1x16xi32>
    tpu.vector_store %arg6[%swap3A_115, %swap3A_116], %swap3A_119 {strides = array<i32>} : memref<104x128xi32, #tpu.memory_space<vmem>>, vector<1x16xi32>,
    %get3A_120 = arith.constant 0 : i32
    %get3A_121 = arith.index_cast %get3A_120 : i32 to index
    %get3A_122 = arith.constant 112 : index
    %get3A_123 = tpu.vector_load %arg6[%get3A_121, %get3A_122] {strides = array<i32>} : memref<104x128xi32, #tpu.memory_space<vmem>>, vector<1x16xi32>,
    %get3A_124 = vector.shape_cast %get3A_123 : vector<1x16xi32> to vector<16xi32>
    %get3A_125 = arith.constant 0 : i32
    %get3A_126 = arith.index_cast %get3A_125 : i32 to index
    %get3A_127 = arith.constant 112 : index
    %get3A_128 = tpu.vector_load %arg7[%get3A_126, %get3A_127] {strides = array<i32>} : memref<104x128xi32, #tpu.memory_space<vmem>>, vector<1x16xi32>,
    %get3A_129 = vector.shape_cast %get3A_128 : vector<1x16xi32> to vector<16xi32>
    %add3A_130 = arith.addi %get3A_124, %get3A_129 : vector<16xi32>
    %swap3A_131 = arith.constant 0 : i32
    %swap3A_132 = arith.index_cast %swap3A_131 : i32 to index
    %swap3A_133 = arith.constant 112 : index
    %swap3A_134 = tpu.vector_load %arg6[%swap3A_132, %swap3A_133] {strides = array<i32>} : memref<104x128xi32, #tpu.memory_space<vmem>>, vector<1x16xi32>,
    %swap3A_135 = vector.shape_cast %swap3A_134 : vector<1x16xi32> to vector<16xi32>
    %swap3A_136 = vector.shape_cast %add3A_130 : vector<16xi32> to vector<1x16xi32>
    tpu.vector_store %arg6[%swap3A_132, %swap3A_133], %swap3A_136 {strides = array<i32>} : memref<104x128xi32, #tpu.memory_space<vmem>>, vector<1x16xi32>,
    %dma_start3A = arith.constant 0 : i32
    %dma_start3A_137 = arith.constant 0 : i32
    %dma_start3A_138 = arith.constant 0 : i32
    %dma_start3A_139 = arith.constant 0 : i32
    %dma_start3A_140 = arith.constant 0 : i32
    %dma_start3A_141 = tpu.memref_slice %arg8[%dma_start3A_137, %dma_start3A_139, %dma_start3A_140] : memref<4x128x128xf32, #tpu.memory_space<vmem>> -> memref<1x128x128xf32, #tpu.memory_space<vmem>>
    %dma_start3A_142 = tpu.memref_squeeze %dma_start3A_141 : memref<1x128x128xf32, #tpu.memory_space<vmem>> -> memref<128x128xf32, #tpu.memory_space<vmem>>
    %dma_start3A_143 = arith.constant 0 : i32
    %dma_start3A_144 = tpu.memref_slice %arg6[%dma_start3A, %dma_start3A_143] : memref<104x128xi32, #tpu.memory_space<vmem>> -> memref<1x128xi32, #tpu.memory_space<vmem>>
    %dma_start3A_145 = tpu.memref_squeeze %dma_start3A_144 : memref<1x128xi32, #tpu.memory_space<vmem>> -> memref<128xi32, #tpu.memory_space<vmem>>
    %dma_start3A_146 = arith.constant 0 : i32
    %dma_start3A_147 = arith.constant 0 : i32
    %dma_start3A_148 = tpu.memref_slice %arg4[%dma_start3A_146, %dma_start3A_147] : memref<2600000x128xf32, #tpu.memory_space<hbm>> -> memref<2600000x128xf32, #tpu.memory_space<hbm>>
    %dma_start3A_149 = tpu.memref_slice %arg9[%dma_start3A_138] : memref<4x!tpu.dma_semaphore, #tpu.memory_space<semaphore_mem>> -> memref<1x!tpu.dma_semaphore, #tpu.memory_space<semaphore_mem>>
    %dma_start3A_150 = tpu.memref_squeeze %dma_start3A_149 : memref<1x!tpu.dma_semaphore, #tpu.memory_space<semaphore_mem>> -> memref<!tpu.dma_semaphore, #tpu.memory_space<semaphore_mem>>
    tpu.enqueue_indirect_dma source(%dma_start3A_148 : memref<2600000x128xf32, #tpu.memory_space<hbm>>) target(%dma_start3A_142 : memref<128x128xf32, #tpu.memory_space<vmem>>) offsets(%dma_start3A_145 : memref<128xi32, #tpu.memory_space<vmem>>) semaphore(%dma_start3A_150 : memref<!tpu.dma_semaphore, #tpu.memory_space<semaphore_mem>>)
    %get3A_151 = arith.constant 1 : i32
    %get3A_152 = arith.index_cast %get3A_151 : i32 to index
    %get3A_153 = arith.constant 0 : index
    %get3A_154 = tpu.vector_load %arg6[%get3A_152, %get3A_153] {strides = array<i32>} : memref<104x128xi32, #tpu.memory_space<vmem>>, vector<1x16xi32>,
    %get3A_155 = vector.shape_cast %get3A_154 : vector<1x16xi32> to vector<16xi32>
    %get3A_156 = arith.constant 1 : i32
    %get3A_157 = arith.index_cast %get3A_156 : i32 to index
    %get3A_158 = arith.constant 0 : index
    %get3A_159 = tpu.vector_load %arg7[%get3A_157, %get3A_158] {strides = array<i32>} : memref<104x128xi32, #tpu.memory_space<vmem>>, vector<1x16xi32>,
    %get3A_160 = vector.shape_cast %get3A_159 : vector<1x16xi32> to vector<16xi32>
    %add3A_161 = arith.addi %get3A_155, %get3A_160 : vector<16xi32>
    %swap3A_162 = arith.constant 1 : i32
    %swap3A_163 = arith.index_cast %swap3A_162 : i32 to index
    %swap3A_164 = arith.constant 0 : index
    %swap3A_165 = tpu.vector_load %arg6[%swap3A_163, %swap3A_164] {strides = array<i32>} : memref<104x128xi32, #tpu.memory_space<vmem>>, vector<1x16xi32>,
    %swap3A_166 = vector.shape_cast %swap3A_165 : vector<1x16xi32> to vector<16xi32>
    %swap3A_167 = vector.shape_cast %add3A_161 : vector<16xi32> to vector<1x16xi32>
    tpu.vector_store %arg6[%swap3A_163, %swap3A_164], %swap3A_167 {strides = array<i32>} : memref<104x128xi32, #tpu.memory_space<vmem>>, vector<1x16xi32>,
    %get3A_168 = arith.constant 1 : i32
    %get3A_169 = arith.index_cast %get3A_168 : i32 to index
    %get3A_170 = arith.constant 16 : index
    %get3A_171 = tpu.vector_load %arg6[%get3A_169, %get3A_170] {strides = array<i32>} : memref<104x128xi32, #tpu.memory_space<vmem>>, vector<1x16xi32>,
    %get3A_172 = vector.shape_cast %get3A_171 : vector<1x16xi32> to vector<16xi32>
    %get3A_173 = arith.constant 1 : i32
    %get3A_174 = arith.index_cast %get3A_173 : i32 to index
    %get3A_175 = arith.constant 16 : index
    %get3A_176 = tpu.vector_load %arg7[%get3A_174, %get3A_175] {strides = array<i32>} : memref<104x128xi32, #tpu.memory_space<vmem>>, vector<1x16xi32>,
    %get3A_177 = vector.shape_cast %get3A_176 : vector<1x16xi32> to vector<16xi32>
    %add3A_178 = arith.addi %get3A_172, %get3A_177 : vector<16xi32>
    %swap3A_179 = arith.constant 1 : i32
    %swap3A_180 = arith.index_cast %swap3A_179 : i32 to index
    %swap3A_181 = arith.constant 16 : index
    %swap3A_182 = tpu.vector_load %arg6[%swap3A_180, %swap3A_181] {strides = array<i32>} : memref<104x128xi32, #tpu.memory_space<vmem>>, vector<1x16xi32>,
    %swap3A_183 = vector.shape_cast %swap3A_182 : vector<1x16xi32> to vector<16xi32>
    %swap3A_184 = vector.shape_cast %add3A_178 : vector<16xi32> to vector<1x16xi32>
    tpu.vector_store %arg6[%swap3A_180, %swap3A_181], %swap3A_184 {strides = array<i32>} : memref<104x128xi32, #tpu.memory_space<vmem>>, vector<1x16xi32>,
    %get3A_185 = arith.constant 1 : i32
    %get3A_186 = arith.index_cast %get3A_185 : i32 to index
    %get3A_187 = arith.constant 32 : index
    %get3A_188 = tpu.vector_load %arg6[%get3A_186, %get3A_187] {strides = array<i32>} : memref<104x128xi32, #tpu.memory_space<vmem>>, vector<1x16xi32>,
    %get3A_189 = vector.shape_cast %get3A_188 : vector<1x16xi32> to vector<16xi32>
    %get3A_190 = arith.constant 1 : i32
    %get3A_191 = arith.index_cast %get3A_190 : i32 to index
    %get3A_192 = arith.constant 32 : index
    %get3A_193 = tpu.vector_load %arg7[%get3A_191, %get3A_192] {strides = array<i32>} : memref<104x128xi32, #tpu.memory_space<vmem>>, vector<1x16xi32>,
    %get3A_194 = vector.shape_cast %get3A_193 : vector<1x16xi32> to vector<16xi32>
    %add3A_195 = arith.addi %get3A_189, %get3A_194 : vector<16xi32>
    %swap3A_196 = arith.constant 1 : i32
    %swap3A_197 = arith.index_cast %swap3A_196 : i32 to index
    %swap3A_198 = arith.constant 32 : index
    %swap3A_199 = tpu.vector_load %arg6[%swap3A_197, %swap3A_198] {strides = array<i32>} : memref<104x128xi32, #tpu.memory_space<vmem>>, vector<1x16xi32>,
    %swap3A_200 = vector.shape_cast %swap3A_199 : vector<1x16xi32> to vector<16xi32>
    %swap3A_201 = vector.shape_cast %add3A_195 : vector<16xi32> to vector<1x16xi32>
    tpu.vector_store %arg6[%swap3A_197, %swap3A_198], %swap3A_201 {strides = array<i32>} : memref<104x128xi32, #tpu.memory_space<vmem>>, vector<1x16xi32>,
    %get3A_202 = arith.constant 1 : i32
    %get3A_203 = arith.index_cast %get3A_202 : i32 to index
    %get3A_204 = arith.constant 48 : index
    %get3A_205 = tpu.vector_load %arg6[%get3A_203, %get3A_204] {strides = array<i32>} : memref<104x128xi32, #tpu.memory_space<vmem>>, vector<1x16xi32>,
    %get3A_206 = vector.shape_cast %get3A_205 : vector<1x16xi32> to vector<16xi32>
    %get3A_207 = arith.constant 1 : i32
    %get3A_208 = arith.index_cast %get3A_207 : i32 to index
    %get3A_209 = arith.constant 48 : index
    %get3A_210 = tpu.vector_load %arg7[%get3A_208, %get3A_209] {strides = array<i32>} : memref<104x128xi32, #tpu.memory_space<vmem>>, vector<1x16xi32>,
    %get3A_211 = vector.shape_cast %get3A_210 : vector<1x16xi32> to vector<16xi32>
    %add3A_212 = arith.addi %get3A_206, %get3A_211 : vector<16xi32>
    %swap3A_213 = arith.constant 1 : i32
    %swap3A_214 = arith.index_cast %swap3A_213 : i32 to index
    %swap3A_215 = arith.constant 48 : index
    %swap3A_216 = tpu.vector_load %arg6[%swap3A_214, %swap3A_215] {strides = array<i32>} : memref<104x128xi32, #tpu.memory_space<vmem>>, vector<1x16xi32>,
    %swap3A_217 = vector.shape_cast %swap3A_216 : vector<1x16xi32> to vector<16xi32>
    %swap3A_218 = vector.shape_cast %add3A_212 : vector<16xi32> to vector<1x16xi32>
    tpu.vector_store %arg6[%swap3A_214, %swap3A_215], %swap3A_218 {strides = array<i32>} : memref<104x128xi32, #tpu.memory_space<vmem>>, vector<1x16xi32>,
    %get3A_219 = arith.constant 1 : i32
    %get3A_220 = arith.index_cast %get3A_219 : i32 to index
    %get3A_221 = arith.constant 64 : index
    %get3A_222 = tpu.vector_load %arg6[%get3A_220, %get3A_221] {strides = array<i32>} : memref<104x128xi32, #tpu.memory_space<vmem>>, vector<1x16xi32>,
    %get3A_223 = vector.shape_cast %get3A_222 : vector<1x16xi32> to vector<16xi32>
    %get3A_224 = arith.constant 1 : i32
    %get3A_225 = arith.index_cast %get3A_224 : i32 to index
    %get3A_226 = arith.constant 64 : index
    %get3A_227 = tpu.vector_load %arg7[%get3A_225, %get3A_226] {strides = array<i32>} : memref<104x128xi32, #tpu.memory_space<vmem>>, vector<1x16xi32>,
    %get3A_228 = vector.shape_cast %get3A_227 : vector<1x16xi32> to vector<16xi32>
    %add3A_229 = arith.addi %get3A_223, %get3A_228 : vector<16xi32>
    %swap3A_230 = arith.constant 1 : i32
    %swap3A_231 = arith.index_cast %swap3A_230 : i32 to index
    %swap3A_232 = arith.constant 64 : index
    %swap3A_233 = tpu.vector_load %arg6[%swap3A_231, %swap3A_232] {strides = array<i32>} : memref<104x128xi32, #tpu.memory_space<vmem>>, vector<1x16xi32>,
    %swap3A_234 = vector.shape_cast %swap3A_233 : vector<1x16xi32> to vector<16xi32>
    %swap3A_235 = vector.shape_cast %add3A_229 : vector<16xi32> to vector<1x16xi32>
    tpu.vector_store %arg6[%swap3A_231, %swap3A_232], %swap3A_235 {strides = array<i32>} : memref<104x128xi32, #tpu.memory_space<vmem>>, vector<1x16xi32>,
    %get3A_236 = arith.constant 1 : i32
    %get3A_237 = arith.index_cast %get3A_236 : i32 to index
    %get3A_238 = arith.constant 80 : index
    %get3A_239 = tpu.vector_load %arg6[%get3A_237, %get3A_238] {strides = array<i32>} : memref<104x128xi32, #tpu.memory_space<vmem>>, vector<1x16xi32>,
    %get3A_240 = vector.shape_cast %get3A_239 : vector<1x16xi32> to vector<16xi32>
    %get3A_241 = arith.constant 1 : i32
    %get3A_242 = arith.index_cast %get3A_241 : i32 to index
    %get3A_243 = arith.constant 80 : index
    %get3A_244 = tpu.vector_load %arg7[%get3A_242, %get3A_243] {strides = array<i32>} : memref<104x128xi32, #tpu.memory_space<vmem>>, vector<1x16xi32>,
    %get3A_245 = vector.shape_cast %get3A_244 : vector<1x16xi32> to vector<16xi32>
    %add3A_246 = arith.addi %get3A_240, %get3A_245 : vector<16xi32>
    %swap3A_247 = arith.constant 1 : i32
    %swap3A_248 = arith.index_cast %swap3A_247 : i32 to index
    %swap3A_249 = arith.constant 80 : index
    %swap3A_250 = tpu.vector_load %arg6[%swap3A_248, %swap3A_249] {strides = array<i32>} : memref<104x128xi32, #tpu.memory_space<vmem>>, vector<1x16xi32>,
    %swap3A_251 = vector.shape_cast %swap3A_250 : vector<1x16xi32> to vector<16xi32>
    %swap3A_252 = vector.shape_cast %add3A_246 : vector<16xi32> to vector<1x16xi32>
    tpu.vector_store %arg6[%swap3A_248, %swap3A_249], %swap3A_252 {strides = array<i32>} : memref<104x128xi32, #tpu.memory_space<vmem>>, vector<1x16xi32>,
    %get3A_253 = arith.constant 1 : i32
    %get3A_254 = arith.index_cast %get3A_253 : i32 to index
    %get3A_255 = arith.constant 96 : index
    %get3A_256 = tpu.vector_load %arg6[%get3A_254, %get3A_255] {strides = array<i32>} : memref<104x128xi32, #tpu.memory_space<vmem>>, vector<1x16xi32>,
    %get3A_257 = vector.shape_cast %get3A_256 : vector<1x16xi32> to vector<16xi32>
    %get3A_258 = arith.constant 1 : i32
    %get3A_259 = arith.index_cast %get3A_258 : i32 to index
    %get3A_260 = arith.constant 96 : index
    %get3A_261 = tpu.vector_load %arg7[%get3A_259, %get3A_260] {strides = array<i32>} : memref<104x128xi32, #tpu.memory_space<vmem>>, vector<1x16xi32>,
    %get3A_262 = vector.shape_cast %get3A_261 : vector<1x16xi32> to vector<16xi32>
    %add3A_263 = arith.addi %get3A_257, %get3A_262 : vector<16xi32>
    %swap3A_264 = arith.constant 1 : i32
    %swap3A_265 = arith.index_cast %swap3A_264 : i32 to index
    %swap3A_266 = arith.constant 96 : index
    %swap3A_267 = tpu.vector_load %arg6[%swap3A_265, %swap3A_266] {strides = array<i32>} : memref<104x128xi32, #tpu.memory_space<vmem>>, vector<1x16xi32>,
    %swap3A_268 = vector.shape_cast %swap3A_267 : vector<1x16xi32> to vector<16xi32>
    %swap3A_269 = vector.shape_cast %add3A_263 : vector<16xi32> to vector<1x16xi32>
    tpu.vector_store %arg6[%swap3A_265, %swap3A_266], %swap3A_269 {strides = array<i32>} : memref<104x128xi32, #tpu.memory_space<vmem>>, vector<1x16xi32>,
    %get3A_270 = arith.constant 1 : i32
    %get3A_271 = arith.index_cast %get3A_270 : i32 to index
    %get3A_272 = arith.constant 112 : index
    %get3A_273 = tpu.vector_load %arg6[%get3A_271, %get3A_272] {strides = array<i32>} : memref<104x128xi32, #tpu.memory_space<vmem>>, vector<1x16xi32>,
    %get3A_274 = vector.shape_cast %get3A_273 : vector<1x16xi32> to vector<16xi32>
    %get3A_275 = arith.constant 1 : i32
    %get3A_276 = arith.index_cast %get3A_275 : i32 to index
    %get3A_277 = arith.constant 112 : index
    %get3A_278 = tpu.vector_load %arg7[%get3A_276, %get3A_277] {strides = array<i32>} : memref<104x128xi32, #tpu.memory_space<vmem>>, vector<1x16xi32>,
    %get3A_279 = vector.shape_cast %get3A_278 : vector<1x16xi32> to vector<16xi32>
    %add3A_280 = arith.addi %get3A_274, %get3A_279 : vector<16xi32>
    %swap3A_281 = arith.constant 1 : i32
    %swap3A_282 = arith.index_cast %swap3A_281 : i32 to index
    %swap3A_283 = arith.constant 112 : index
    %swap3A_284 = tpu.vector_load %arg6[%swap3A_282, %swap3A_283] {strides = array<i32>} : memref<104x128xi32, #tpu.memory_space<vmem>>, vector<1x16xi32>,
    %swap3A_285 = vector.shape_cast %swap3A_284 : vector<1x16xi32> to vector<16xi32>
    %swap3A_286 = vector.shape_cast %add3A_280 : vector<16xi32> to vector<1x16xi32>
    tpu.vector_store %arg6[%swap3A_282, %swap3A_283], %swap3A_286 {strides = array<i32>} : memref<104x128xi32, #tpu.memory_space<vmem>>, vector<1x16xi32>,
    %dma_start3A_287 = arith.constant 1 : i32
    %dma_start3A_288 = arith.constant 1 : i32
    %dma_start3A_289 = arith.constant 1 : i32
    %dma_start3A_290 = arith.constant 0 : i32
    %dma_start3A_291 = arith.constant 0 : i32
    %dma_start3A_292 = tpu.memref_slice %arg8[%dma_start3A_288, %dma_start3A_290, %dma_start3A_291] : memref<4x128x128xf32, #tpu.memory_space<vmem>> -> memref<1x128x128xf32, #tpu.memory_space<vmem>>
    %dma_start3A_293 = tpu.memref_squeeze %dma_start3A_292 : memref<1x128x128xf32, #tpu.memory_space<vmem>> -> memref<128x128xf32, #tpu.memory_space<vmem>>
    %dma_start3A_294 = arith.constant 0 : i32
    %dma_start3A_295 = tpu.memref_slice %arg6[%dma_start3A_287, %dma_start3A_294] : memref<104x128xi32, #tpu.memory_space<vmem>> -> memref<1x128xi32, #tpu.memory_space<vmem>>
    %dma_start3A_296 = tpu.memref_squeeze %dma_start3A_295 : memref<1x128xi32, #tpu.memory_space<vmem>> -> memref<128xi32, #tpu.memory_space<vmem>>
    %dma_start3A_297 = arith.constant 0 : i32
    %dma_start3A_298 = arith.constant 0 : i32
    %dma_start3A_299 = tpu.memref_slice %arg4[%dma_start3A_297, %dma_start3A_298] : memref<2600000x128xf32, #tpu.memory_space<hbm>> -> memref<2600000x128xf32, #tpu.memory_space<hbm>>
    %dma_start3A_300 = tpu.memref_slice %arg9[%dma_start3A_289] : memref<4x!tpu.dma_semaphore, #tpu.memory_space<semaphore_mem>> -> memref<1x!tpu.dma_semaphore, #tpu.memory_space<semaphore_mem>>
    %dma_start3A_301 = tpu.memref_squeeze %dma_start3A_300 : memref<1x!tpu.dma_semaphore, #tpu.memory_space<semaphore_mem>> -> memref<!tpu.dma_semaphore, #tpu.memory_space<semaphore_mem>>
    tpu.enqueue_indirect_dma source(%dma_start3A_299 : memref<2600000x128xf32, #tpu.memory_space<hbm>>) target(%dma_start3A_293 : memref<128x128xf32, #tpu.memory_space<vmem>>) offsets(%dma_start3A_296 : memref<128xi32, #tpu.memory_space<vmem>>) semaphore(%dma_start3A_301 : memref<!tpu.dma_semaphore, #tpu.memory_space<semaphore_mem>>)
    %get3A_302 = arith.constant 2 : i32
    %get3A_303 = arith.index_cast %get3A_302 : i32 to index
    %get3A_304 = arith.constant 0 : index
    %get3A_305 = tpu.vector_load %arg6[%get3A_303, %get3A_304] {strides = array<i32>} : memref<104x128xi32, #tpu.memory_space<vmem>>, vector<1x16xi32>,
    %get3A_306 = vector.shape_cast %get3A_305 : vector<1x16xi32> to vector<16xi32>
    %get3A_307 = arith.constant 2 : i32
    %get3A_308 = arith.index_cast %get3A_307 : i32 to index
    %get3A_309 = arith.constant 0 : index
    %get3A_310 = tpu.vector_load %arg7[%get3A_308, %get3A_309] {strides = array<i32>} : memref<104x128xi32, #tpu.memory_space<vmem>>, vector<1x16xi32>,
    %get3A_311 = vector.shape_cast %get3A_310 : vector<1x16xi32> to vector<16xi32>
    %add3A_312 = arith.addi %get3A_306, %get3A_311 : vector<16xi32>
    %swap3A_313 = arith.constant 2 : i32
    %swap3A_314 = arith.index_cast %swap3A_313 : i32 to index
    %swap3A_315 = arith.constant 0 : index
    %swap3A_316 = tpu.vector_load %arg6[%swap3A_314, %swap3A_315] {strides = array<i32>} : memref<104x128xi32, #tpu.memory_space<vmem>>, vector<1x16xi32>,
    %swap3A_317 = vector.shape_cast %swap3A_316 : vector<1x16xi32> to vector<16xi32>
    %swap3A_318 = vector.shape_cast %add3A_312 : vector<16xi32> to vector<1x16xi32>
    tpu.vector_store %arg6[%swap3A_314, %swap3A_315], %swap3A_318 {strides = array<i32>} : memref<104x128xi32, #tpu.memory_space<vmem>>, vector<1x16xi32>,
    %get3A_319 = arith.constant 2 : i32
    %get3A_320 = arith.index_cast %get3A_319 : i32 to index
    %get3A_321 = arith.constant 16 : index
    %get3A_322 = tpu.vector_load %arg6[%get3A_320, %get3A_321] {strides = array<i32>} : memref<104x128xi32, #tpu.memory_space<vmem>>, vector<1x16xi32>,
    %get3A_323 = vector.shape_cast %get3A_322 : vector<1x16xi32> to vector<16xi32>
    %get3A_324 = arith.constant 2 : i32
    %get3A_325 = arith.index_cast %get3A_324 : i32 to index
    %get3A_326 = arith.constant 16 : index
    %get3A_327 = tpu.vector_load %arg7[%get3A_325, %get3A_326] {strides = array<i32>} : memref<104x128xi32, #tpu.memory_space<vmem>>, vector<1x16xi32>,
    %get3A_328 = vector.shape_cast %get3A_327 : vector<1x16xi32> to vector<16xi32>
    %add3A_329 = arith.addi %get3A_323, %get3A_328 : vector<16xi32>
    %swap3A_330 = arith.constant 2 : i32
    %swap3A_331 = arith.index_cast %swap3A_330 : i32 to index
    %swap3A_332 = arith.constant 16 : index
    %swap3A_333 = tpu.vector_load %arg6[%swap3A_331, %swap3A_332] {strides = array<i32>} : memref<104x128xi32, #tpu.memory_space<vmem>>, vector<1x16xi32>,
    %swap3A_334 = vector.shape_cast %swap3A_333 : vector<1x16xi32> to vector<16xi32>
    %swap3A_335 = vector.shape_cast %add3A_329 : vector<16xi32> to vector<1x16xi32>
    tpu.vector_store %arg6[%swap3A_331, %swap3A_332], %swap3A_335 {strides = array<i32>} : memref<104x128xi32, #tpu.memory_space<vmem>>, vector<1x16xi32>,
    %get3A_336 = arith.constant 2 : i32
    %get3A_337 = arith.index_cast %get3A_336 : i32 to index
    %get3A_338 = arith.constant 32 : index
    %get3A_339 = tpu.vector_load %arg6[%get3A_337, %get3A_338] {strides = array<i32>} : memref<104x128xi32, #tpu.memory_space<vmem>>, vector<1x16xi32>,
    %get3A_340 = vector.shape_cast %get3A_339 : vector<1x16xi32> to vector<16xi32>
    %get3A_341 = arith.constant 2 : i32
    %get3A_342 = arith.index_cast %get3A_341 : i32 to index
    %get3A_343 = arith.constant 32 : index
    %get3A_344 = tpu.vector_load %arg7[%get3A_342, %get3A_343] {strides = array<i32>} : memref<104x128xi32, #tpu.memory_space<vmem>>, vector<1x16xi32>,
    %get3A_345 = vector.shape_cast %get3A_344 : vector<1x16xi32> to vector<16xi32>
    %add3A_346 = arith.addi %get3A_340, %get3A_345 : vector<16xi32>
    %swap3A_347 = arith.constant 2 : i32
    %swap3A_348 = arith.index_cast %swap3A_347 : i32 to index
    %swap3A_349 = arith.constant 32 : index
    %swap3A_350 = tpu.vector_load %arg6[%swap3A_348, %swap3A_349] {strides = array<i32>} : memref<104x128xi32, #tpu.memory_space<vmem>>, vector<1x16xi32>,
    %swap3A_351 = vector.shape_cast %swap3A_350 : vector<1x16xi32> to vector<16xi32>
    %swap3A_352 = vector.shape_cast %add3A_346 : vector<16xi32> to vector<1x16xi32>
    tpu.vector_store %arg6[%swap3A_348, %swap3A_349], %swap3A_352 {strides = array<i32>} : memref<104x128xi32, #tpu.memory_space<vmem>>, vector<1x16xi32>,
    %get3A_353 = arith.constant 2 : i32
    %get3A_354 = arith.index_cast %get3A_353 : i32 to index
    %get3A_355 = arith.constant 48 : index
    %get3A_356 = tpu.vector_load %arg6[%get3A_354, %get3A_355] {strides = array<i32>} : memref<104x128xi32, #tpu.memory_space<vmem>>, vector<1x16xi32>,
    %get3A_357 = vector.shape_cast %get3A_356 : vector<1x16xi32> to vector<16xi32>
    %get3A_358 = arith.constant 2 : i32
    %get3A_359 = arith.index_cast %get3A_358 : i32 to index
    %get3A_360 = arith.constant 48 : index
    %get3A_361 = tpu.vector_load %arg7[%get3A_359, %get3A_360] {strides = array<i32>} : memref<104x128xi32, #tpu.memory_space<vmem>>, vector<1x16xi32>,
    %get3A_362 = vector.shape_cast %get3A_361 : vector<1x16xi32> to vector<16xi32>
    %add3A_363 = arith.addi %get3A_357, %get3A_362 : vector<16xi32>
    %swap3A_364 = arith.constant 2 : i32
    %swap3A_365 = arith.index_cast %swap3A_364 : i32 to index
    %swap3A_366 = arith.constant 48 : index
    %swap3A_367 = tpu.vector_load %arg6[%swap3A_365, %swap3A_366] {strides = array<i32>} : memref<104x128xi32, #tpu.memory_space<vmem>>, vector<1x16xi32>,
    %swap3A_368 = vector.shape_cast %swap3A_367 : vector<1x16xi32> to vector<16xi32>
    %swap3A_369 = vector.shape_cast %add3A_363 : vector<16xi32> to vector<1x16xi32>
    tpu.vector_store %arg6[%swap3A_365, %swap3A_366], %swap3A_369 {strides = array<i32>} : memref<104x128xi32, #tpu.memory_space<vmem>>, vector<1x16xi32>,
    %get3A_370 = arith.constant 2 : i32
    %get3A_371 = arith.index_cast %get3A_370 : i32 to index
    %get3A_372 = arith.constant 64 : index
    %get3A_373 = tpu.vector_load %arg6[%get3A_371, %get3A_372] {strides = array<i32>} : memref<104x128xi32, #tpu.memory_space<vmem>>, vector<1x16xi32>,
    %get3A_374 = vector.shape_cast %get3A_373 : vector<1x16xi32> to vector<16xi32>
    %get3A_375 = arith.constant 2 : i32
    %get3A_376 = arith.index_cast %get3A_375 : i32 to index
    %get3A_377 = arith.constant 64 : index
    %get3A_378 = tpu.vector_load %arg7[%get3A_376, %get3A_377] {strides = array<i32>} : memref<104x128xi32, #tpu.memory_space<vmem>>, vector<1x16xi32>,
    %get3A_379 = vector.shape_cast %get3A_378 : vector<1x16xi32> to vector<16xi32>
    %add3A_380 = arith.addi %get3A_374, %get3A_379 : vector<16xi32>
    %swap3A_381 = arith.constant 2 : i32
    %swap3A_382 = arith.index_cast %swap3A_381 : i32 to index
    %swap3A_383 = arith.constant 64 : index
    %swap3A_384 = tpu.vector_load %arg6[%swap3A_382, %swap3A_383] {strides = array<i32>} : memref<104x128xi32, #tpu.memory_space<vmem>>, vector<1x16xi32>,
    %swap3A_385 = vector.shape_cast %swap3A_384 : vector<1x16xi32> to vector<16xi32>
    %swap3A_386 = vector.shape_cast %add3A_380 : vector<16xi32> to vector<1x16xi32>
    tpu.vector_store %arg6[%swap3A_382, %swap3A_383], %swap3A_386 {strides = array<i32>} : memref<104x128xi32, #tpu.memory_space<vmem>>, vector<1x16xi32>,
    %get3A_387 = arith.constant 2 : i32
    %get3A_388 = arith.index_cast %get3A_387 : i32 to index
    %get3A_389 = arith.constant 80 : index
    %get3A_390 = tpu.vector_load %arg6[%get3A_388, %get3A_389] {strides = array<i32>} : memref<104x128xi32, #tpu.memory_space<vmem>>, vector<1x16xi32>,
    %get3A_391 = vector.shape_cast %get3A_390 : vector<1x16xi32> to vector<16xi32>
    %get3A_392 = arith.constant 2 : i32
    %get3A_393 = arith.index_cast %get3A_392 : i32 to index
    %get3A_394 = arith.constant 80 : index
    %get3A_395 = tpu.vector_load %arg7[%get3A_393, %get3A_394] {strides = array<i32>} : memref<104x128xi32, #tpu.memory_space<vmem>>, vector<1x16xi32>,
    %get3A_396 = vector.shape_cast %get3A_395 : vector<1x16xi32> to vector<16xi32>
    %add3A_397 = arith.addi %get3A_391, %get3A_396 : vector<16xi32>
    %swap3A_398 = arith.constant 2 : i32
    %swap3A_399 = arith.index_cast %swap3A_398 : i32 to index
    %swap3A_400 = arith.constant 80 : index
    %swap3A_401 = tpu.vector_load %arg6[%swap3A_399, %swap3A_400] {strides = array<i32>} : memref<104x128xi32, #tpu.memory_space<vmem>>, vector<1x16xi32>,
    %swap3A_402 = vector.shape_cast %swap3A_401 : vector<1x16xi32> to vector<16xi32>
    %swap3A_403 = vector.shape_cast %add3A_397 : vector<16xi32> to vector<1x16xi32>
    tpu.vector_store %arg6[%swap3A_399, %swap3A_400], %swap3A_403 {strides = array<i32>} : memref<104x128xi32, #tpu.memory_space<vmem>>, vector<1x16xi32>,
    %get3A_404 = arith.constant 2 : i32
    %get3A_405 = arith.index_cast %get3A_404 : i32 to index
    %get3A_406 = arith.constant 96 : index
    %get3A_407 = tpu.vector_load %arg6[%get3A_405, %get3A_406] {strides = array<i32>} : memref<104x128xi32, #tpu.memory_space<vmem>>, vector<1x16xi32>,
    %get3A_408 = vector.shape_cast %get3A_407 : vector<1x16xi32> to vector<16xi32>
    %get3A_409 = arith.constant 2 : i32
    %get3A_410 = arith.index_cast %get3A_409 : i32 to index
    %get3A_411 = arith.constant 96 : index
    %get3A_412 = tpu.vector_load %arg7[%get3A_410, %get3A_411] {strides = array<i32>} : memref<104x128xi32, #tpu.memory_space<vmem>>, vector<1x16xi32>,
    %get3A_413 = vector.shape_cast %get3A_412 : vector<1x16xi32> to vector<16xi32>
    %add3A_414 = arith.addi %get3A_408, %get3A_413 : vector<16xi32>
    %swap3A_415 = arith.constant 2 : i32
    %swap3A_416 = arith.index_cast %swap3A_415 : i32 to index
    %swap3A_417 = arith.constant 96 : index
    %swap3A_418 = tpu.vector_load %arg6[%swap3A_416, %swap3A_417] {strides = array<i32>} : memref<104x128xi32, #tpu.memory_space<vmem>>, vector<1x16xi32>,
    %swap3A_419 = vector.shape_cast %swap3A_418 : vector<1x16xi32> to vector<16xi32>
    %swap3A_420 = vector.shape_cast %add3A_414 : vector<16xi32> to vector<1x16xi32>
    tpu.vector_store %arg6[%swap3A_416, %swap3A_417], %swap3A_420 {strides = array<i32>} : memref<104x128xi32, #tpu.memory_space<vmem>>, vector<1x16xi32>,
    %get3A_421 = arith.constant 2 : i32
    %get3A_422 = arith.index_cast %get3A_421 : i32 to index
    %get3A_423 = arith.constant 112 : index
    %get3A_424 = tpu.vector_load %arg6[%get3A_422, %get3A_423] {strides = array<i32>} : memref<104x128xi32, #tpu.memory_space<vmem>>, vector<1x16xi32>,
    %get3A_425 = vector.shape_cast %get3A_424 : vector<1x16xi32> to vector<16xi32>
    %get3A_426 = arith.constant 2 : i32
    %get3A_427 = arith.index_cast %get3A_426 : i32 to index
    %get3A_428 = arith.constant 112 : index
    %get3A_429 = tpu.vector_load %arg7[%get3A_427, %get3A_428] {strides = array<i32>} : memref<104x128xi32, #tpu.memory_space<vmem>>, vector<1x16xi32>,
    %get3A_430 = vector.shape_cast %get3A_429 : vector<1x16xi32> to vector<16xi32>
    %add3A_431 = arith.addi %get3A_425, %get3A_430 : vector<16xi32>
    %swap3A_432 = arith.constant 2 : i32
    %swap3A_433 = arith.index_cast %swap3A_432 : i32 to index
    %swap3A_434 = arith.constant 112 : index
    %swap3A_435 = tpu.vector_load %arg6[%swap3A_433, %swap3A_434] {strides = array<i32>} : memref<104x128xi32, #tpu.memory_space<vmem>>, vector<1x16xi32>,
    %swap3A_436 = vector.shape_cast %swap3A_435 : vector<1x16xi32> to vector<16xi32>
    %swap3A_437 = vector.shape_cast %add3A_431 : vector<16xi32> to vector<1x16xi32>
    tpu.vector_store %arg6[%swap3A_433, %swap3A_434], %swap3A_437 {strides = array<i32>} : memref<104x128xi32, #tpu.memory_space<vmem>>, vector<1x16xi32>,
    %dma_start3A_438 = arith.constant 2 : i32
    %dma_start3A_439 = arith.constant 2 : i32
    %dma_start3A_440 = arith.constant 2 : i32
    %dma_start3A_441 = arith.constant 0 : i32
    %dma_start3A_442 = arith.constant 0 : i32
    %dma_start3A_443 = tpu.memref_slice %arg8[%dma_start3A_439, %dma_start3A_441, %dma_start3A_442] : memref<4x128x128xf32, #tpu.memory_space<vmem>> -> memref<1x128x128xf32, #tpu.memory_space<vmem>>
    %dma_start3A_444 = tpu.memref_squeeze %dma_start3A_443 : memref<1x128x128xf32, #tpu.memory_space<vmem>> -> memref<128x128xf32, #tpu.memory_space<vmem>>
    %dma_start3A_445 = arith.constant 0 : i32
    %dma_start3A_446 = tpu.memref_slice %arg6[%dma_start3A_438, %dma_start3A_445] : memref<104x128xi32, #tpu.memory_space<vmem>> -> memref<1x128xi32, #tpu.memory_space<vmem>>
    %dma_start3A_447 = tpu.memref_squeeze %dma_start3A_446 : memref<1x128xi32, #tpu.memory_space<vmem>> -> memref<128xi32, #tpu.memory_space<vmem>>
    %dma_start3A_448 = arith.constant 0 : i32
    %dma_start3A_449 = arith.constant 0 : i32
    %dma_start3A_450 = tpu.memref_slice %arg4[%dma_start3A_448, %dma_start3A_449] : memref<2600000x128xf32, #tpu.memory_space<hbm>> -> memref<2600000x128xf32, #tpu.memory_space<hbm>>
    %dma_start3A_451 = tpu.memref_slice %arg9[%dma_start3A_440] : memref<4x!tpu.dma_semaphore, #tpu.memory_space<semaphore_mem>> -> memref<1x!tpu.dma_semaphore, #tpu.memory_space<semaphore_mem>>
    %dma_start3A_452 = tpu.memref_squeeze %dma_start3A_451 : memref<1x!tpu.dma_semaphore, #tpu.memory_space<semaphore_mem>> -> memref<!tpu.dma_semaphore, #tpu.memory_space<semaphore_mem>>
    tpu.enqueue_indirect_dma source(%dma_start3A_450 : memref<2600000x128xf32, #tpu.memory_space<hbm>>) target(%dma_start3A_444 : memref<128x128xf32, #tpu.memory_space<vmem>>) offsets(%dma_start3A_447 : memref<128xi32, #tpu.memory_space<vmem>>) semaphore(%dma_start3A_452 : memref<!tpu.dma_semaphore, #tpu.memory_space<semaphore_mem>>)
    %get3A_453 = arith.constant 3 : i32
    %get3A_454 = arith.index_cast %get3A_453 : i32 to index
    %get3A_455 = arith.constant 0 : index
    %get3A_456 = tpu.vector_load %arg6[%get3A_454, %get3A_455] {strides = array<i32>} : memref<104x128xi32, #tpu.memory_space<vmem>>, vector<1x16xi32>,
    %get3A_457 = vector.shape_cast %get3A_456 : vector<1x16xi32> to vector<16xi32>
    %get3A_458 = arith.constant 3 : i32
    %get3A_459 = arith.index_cast %get3A_458 : i32 to index
    %get3A_460 = arith.constant 0 : index
    %get3A_461 = tpu.vector_load %arg7[%get3A_459, %get3A_460] {strides = array<i32>} : memref<104x128xi32, #tpu.memory_space<vmem>>, vector<1x16xi32>,
    %get3A_462 = vector.shape_cast %get3A_461 : vector<1x16xi32> to vector<16xi32>
    %add3A_463 = arith.addi %get3A_457, %get3A_462 : vector<16xi32>
    %swap3A_464 = arith.constant 3 : i32
    %swap3A_465 = arith.index_cast %swap3A_464 : i32 to index
    %swap3A_466 = arith.constant 0 : index
    %swap3A_467 = tpu.vector_load %arg6[%swap3A_465, %swap3A_466] {strides = array<i32>} : memref<104x128xi32, #tpu.memory_space<vmem>>, vector<1x16xi32>,
    %swap3A_468 = vector.shape_cast %swap3A_467 : vector<1x16xi32> to vector<16xi32>
    %swap3A_469 = vector.shape_cast %add3A_463 : vector<16xi32> to vector<1x16xi32>
    tpu.vector_store %arg6[%swap3A_465, %swap3A_466], %swap3A_469 {strides = array<i32>} : memref<104x128xi32, #tpu.memory_space<vmem>>, vector<1x16xi32>,
    %get3A_470 = arith.constant 3 : i32
    %get3A_471 = arith.index_cast %get3A_470 : i32 to index
    %get3A_472 = arith.constant 16 : index
    %get3A_473 = tpu.vector_load %arg6[%get3A_471, %get3A_472] {strides = array<i32>} : memref<104x128xi32, #tpu.memory_space<vmem>>, vector<1x16xi32>,
    %get3A_474 = vector.shape_cast %get3A_473 : vector<1x16xi32> to vector<16xi32>
    %get3A_475 = arith.constant 3 : i32
    %get3A_476 = arith.index_cast %get3A_475 : i32 to index
    %get3A_477 = arith.constant 16 : index
    %get3A_478 = tpu.vector_load %arg7[%get3A_476, %get3A_477] {strides = array<i32>} : memref<104x128xi32, #tpu.memory_space<vmem>>, vector<1x16xi32>,
    %get3A_479 = vector.shape_cast %get3A_478 : vector<1x16xi32> to vector<16xi32>
    %add3A_480 = arith.addi %get3A_474, %get3A_479 : vector<16xi32>
    %swap3A_481 = arith.constant 3 : i32
    %swap3A_482 = arith.index_cast %swap3A_481 : i32 to index
    %swap3A_483 = arith.constant 16 : index
    %swap3A_484 = tpu.vector_load %arg6[%swap3A_482, %swap3A_483] {strides = array<i32>} : memref<104x128xi32, #tpu.memory_space<vmem>>, vector<1x16xi32>,
    %swap3A_485 = vector.shape_cast %swap3A_484 : vector<1x16xi32> to vector<16xi32>
    %swap3A_486 = vector.shape_cast %add3A_480 : vector<16xi32> to vector<1x16xi32>
    tpu.vector_store %arg6[%swap3A_482, %swap3A_483], %swap3A_486 {strides = array<i32>} : memref<104x128xi32, #tpu.memory_space<vmem>>, vector<1x16xi32>,
    %get3A_487 = arith.constant 3 : i32
    %get3A_488 = arith.index_cast %get3A_487 : i32 to index
    %get3A_489 = arith.constant 32 : index
    %get3A_490 = tpu.vector_load %arg6[%get3A_488, %get3A_489] {strides = array<i32>} : memref<104x128xi32, #tpu.memory_space<vmem>>, vector<1x16xi32>,
    %get3A_491 = vector.shape_cast %get3A_490 : vector<1x16xi32> to vector<16xi32>
    %get3A_492 = arith.constant 3 : i32
    %get3A_493 = arith.index_cast %get3A_492 : i32 to index
    %get3A_494 = arith.constant 32 : index
    %get3A_495 = tpu.vector_load %arg7[%get3A_493, %get3A_494] {strides = array<i32>} : memref<104x128xi32, #tpu.memory_space<vmem>>, vector<1x16xi32>,
    %get3A_496 = vector.shape_cast %get3A_495 : vector<1x16xi32> to vector<16xi32>
    %add3A_497 = arith.addi %get3A_491, %get3A_496 : vector<16xi32>
    %swap3A_498 = arith.constant 3 : i32
    %swap3A_499 = arith.index_cast %swap3A_498 : i32 to index
    %swap3A_500 = arith.constant 32 : index
    %swap3A_501 = tpu.vector_load %arg6[%swap3A_499, %swap3A_500] {strides = array<i32>} : memref<104x128xi32, #tpu.memory_space<vmem>>, vector<1x16xi32>,
    %swap3A_502 = vector.shape_cast %swap3A_501 : vector<1x16xi32> to vector<16xi32>
    %swap3A_503 = vector.shape_cast %add3A_497 : vector<16xi32> to vector<1x16xi32>
    tpu.vector_store %arg6[%swap3A_499, %swap3A_500], %swap3A_503 {strides = array<i32>} : memref<104x128xi32, #tpu.memory_space<vmem>>, vector<1x16xi32>,
    %get3A_504 = arith.constant 3 : i32
    %get3A_505 = arith.index_cast %get3A_504 : i32 to index
    %get3A_506 = arith.constant 48 : index
    %get3A_507 = tpu.vector_load %arg6[%get3A_505, %get3A_506] {strides = array<i32>} : memref<104x128xi32, #tpu.memory_space<vmem>>, vector<1x16xi32>,
    %get3A_508 = vector.shape_cast %get3A_507 : vector<1x16xi32> to vector<16xi32>
    %get3A_509 = arith.constant 3 : i32
    %get3A_510 = arith.index_cast %get3A_509 : i32 to index
    %get3A_511 = arith.constant 48 : index
    %get3A_512 = tpu.vector_load %arg7[%get3A_510, %get3A_511] {strides = array<i32>} : memref<104x128xi32, #tpu.memory_space<vmem>>, vector<1x16xi32>,
    %get3A_513 = vector.shape_cast %get3A_512 : vector<1x16xi32> to vector<16xi32>
    %add3A_514 = arith.addi %get3A_508, %get3A_513 : vector<16xi32>
    %swap3A_515 = arith.constant 3 : i32
    %swap3A_516 = arith.index_cast %swap3A_515 : i32 to index
    %swap3A_517 = arith.constant 48 : index
    %swap3A_518 = tpu.vector_load %arg6[%swap3A_516, %swap3A_517] {strides = array<i32>} : memref<104x128xi32, #tpu.memory_space<vmem>>, vector<1x16xi32>,
    %swap3A_519 = vector.shape_cast %swap3A_518 : vector<1x16xi32> to vector<16xi32>
    %swap3A_520 = vector.shape_cast %add3A_514 : vector<16xi32> to vector<1x16xi32>
    tpu.vector_store %arg6[%swap3A_516, %swap3A_517], %swap3A_520 {strides = array<i32>} : memref<104x128xi32, #tpu.memory_space<vmem>>, vector<1x16xi32>,
    %get3A_521 = arith.constant 3 : i32
    %get3A_522 = arith.index_cast %get3A_521 : i32 to index
    %get3A_523 = arith.constant 64 : index
    %get3A_524 = tpu.vector_load %arg6[%get3A_522, %get3A_523] {strides = array<i32>} : memref<104x128xi32, #tpu.memory_space<vmem>>, vector<1x16xi32>,
    %get3A_525 = vector.shape_cast %get3A_524 : vector<1x16xi32> to vector<16xi32>
    %get3A_526 = arith.constant 3 : i32
    %get3A_527 = arith.index_cast %get3A_526 : i32 to index
    %get3A_528 = arith.constant 64 : index
    %get3A_529 = tpu.vector_load %arg7[%get3A_527, %get3A_528] {strides = array<i32>} : memref<104x128xi32, #tpu.memory_space<vmem>>, vector<1x16xi32>,
    %get3A_530 = vector.shape_cast %get3A_529 : vector<1x16xi32> to vector<16xi32>
    %add3A_531 = arith.addi %get3A_525, %get3A_530 : vector<16xi32>
    %swap3A_532 = arith.constant 3 : i32
    %swap3A_533 = arith.index_cast %swap3A_532 : i32 to index
    %swap3A_534 = arith.constant 64 : index
    %swap3A_535 = tpu.vector_load %arg6[%swap3A_533, %swap3A_534] {strides = array<i32>} : memref<104x128xi32, #tpu.memory_space<vmem>>, vector<1x16xi32>,
    %swap3A_536 = vector.shape_cast %swap3A_535 : vector<1x16xi32> to vector<16xi32>
    %swap3A_537 = vector.shape_cast %add3A_531 : vector<16xi32> to vector<1x16xi32>
    tpu.vector_store %arg6[%swap3A_533, %swap3A_534], %swap3A_537 {strides = array<i32>} : memref<104x128xi32, #tpu.memory_space<vmem>>, vector<1x16xi32>,
    %get3A_538 = arith.constant 3 : i32
    %get3A_539 = arith.index_cast %get3A_538 : i32 to index
    %get3A_540 = arith.constant 80 : index
    %get3A_541 = tpu.vector_load %arg6[%get3A_539, %get3A_540] {strides = array<i32>} : memref<104x128xi32, #tpu.memory_space<vmem>>, vector<1x16xi32>,
    %get3A_542 = vector.shape_cast %get3A_541 : vector<1x16xi32> to vector<16xi32>
    %get3A_543 = arith.constant 3 : i32
    %get3A_544 = arith.index_cast %get3A_543 : i32 to index
    %get3A_545 = arith.constant 80 : index
    %get3A_546 = tpu.vector_load %arg7[%get3A_544, %get3A_545] {strides = array<i32>} : memref<104x128xi32, #tpu.memory_space<vmem>>, vector<1x16xi32>,
    %get3A_547 = vector.shape_cast %get3A_546 : vector<1x16xi32> to vector<16xi32>
    %add3A_548 = arith.addi %get3A_542, %get3A_547 : vector<16xi32>
    %swap3A_549 = arith.constant 3 : i32
    %swap3A_550 = arith.index_cast %swap3A_549 : i32 to index
    %swap3A_551 = arith.constant 80 : index
    %swap3A_552 = tpu.vector_load %arg6[%swap3A_550, %swap3A_551] {strides = array<i32>} : memref<104x128xi32, #tpu.memory_space<vmem>>, vector<1x16xi32>,
    %swap3A_553 = vector.shape_cast %swap3A_552 : vector<1x16xi32> to vector<16xi32>
    %swap3A_554 = vector.shape_cast %add3A_548 : vector<16xi32> to vector<1x16xi32>
    tpu.vector_store %arg6[%swap3A_550, %swap3A_551], %swap3A_554 {strides = array<i32>} : memref<104x128xi32, #tpu.memory_space<vmem>>, vector<1x16xi32>,
    %get3A_555 = arith.constant 3 : i32
    %get3A_556 = arith.index_cast %get3A_555 : i32 to index
    %get3A_557 = arith.constant 96 : index
    %get3A_558 = tpu.vector_load %arg6[%get3A_556, %get3A_557] {strides = array<i32>} : memref<104x128xi32, #tpu.memory_space<vmem>>, vector<1x16xi32>,
    %get3A_559 = vector.shape_cast %get3A_558 : vector<1x16xi32> to vector<16xi32>
    %get3A_560 = arith.constant 3 : i32
    %get3A_561 = arith.index_cast %get3A_560 : i32 to index
    %get3A_562 = arith.constant 96 : index
    %get3A_563 = tpu.vector_load %arg7[%get3A_561, %get3A_562] {strides = array<i32>} : memref<104x128xi32, #tpu.memory_space<vmem>>, vector<1x16xi32>,
    %get3A_564 = vector.shape_cast %get3A_563 : vector<1x16xi32> to vector<16xi32>
    %add3A_565 = arith.addi %get3A_559, %get3A_564 : vector<16xi32>
    %swap3A_566 = arith.constant 3 : i32
    %swap3A_567 = arith.index_cast %swap3A_566 : i32 to index
    %swap3A_568 = arith.constant 96 : index
    %swap3A_569 = tpu.vector_load %arg6[%swap3A_567, %swap3A_568] {strides = array<i32>} : memref<104x128xi32, #tpu.memory_space<vmem>>, vector<1x16xi32>,
    %swap3A_570 = vector.shape_cast %swap3A_569 : vector<1x16xi32> to vector<16xi32>
    %swap3A_571 = vector.shape_cast %add3A_565 : vector<16xi32> to vector<1x16xi32>
    tpu.vector_store %arg6[%swap3A_567, %swap3A_568], %swap3A_571 {strides = array<i32>} : memref<104x128xi32, #tpu.memory_space<vmem>>, vector<1x16xi32>,
    %get3A_572 = arith.constant 3 : i32
    %get3A_573 = arith.index_cast %get3A_572 : i32 to index
    %get3A_574 = arith.constant 112 : index
    %get3A_575 = tpu.vector_load %arg6[%get3A_573, %get3A_574] {strides = array<i32>} : memref<104x128xi32, #tpu.memory_space<vmem>>, vector<1x16xi32>,
    %get3A_576 = vector.shape_cast %get3A_575 : vector<1x16xi32> to vector<16xi32>
    %get3A_577 = arith.constant 3 : i32
    %get3A_578 = arith.index_cast %get3A_577 : i32 to index
    %get3A_579 = arith.constant 112 : index
    %get3A_580 = tpu.vector_load %arg7[%get3A_578, %get3A_579] {strides = array<i32>} : memref<104x128xi32, #tpu.memory_space<vmem>>, vector<1x16xi32>,
    %get3A_581 = vector.shape_cast %get3A_580 : vector<1x16xi32> to vector<16xi32>
    %add3A_582 = arith.addi %get3A_576, %get3A_581 : vector<16xi32>
    %swap3A_583 = arith.constant 3 : i32
    %swap3A_584 = arith.index_cast %swap3A_583 : i32 to index
    %swap3A_585 = arith.constant 112 : index
    %swap3A_586 = tpu.vector_load %arg6[%swap3A_584, %swap3A_585] {strides = array<i32>} : memref<104x128xi32, #tpu.memory_space<vmem>>, vector<1x16xi32>,
    %swap3A_587 = vector.shape_cast %swap3A_586 : vector<1x16xi32> to vector<16xi32>
    %swap3A_588 = vector.shape_cast %add3A_582 : vector<16xi32> to vector<1x16xi32>
    tpu.vector_store %arg6[%swap3A_584, %swap3A_585], %swap3A_588 {strides = array<i32>} : memref<104x128xi32, #tpu.memory_space<vmem>>, vector<1x16xi32>,
    %dma_start3A_589 = arith.constant 3 : i32
    %dma_start3A_590 = arith.constant 3 : i32
    %dma_start3A_591 = arith.constant 3 : i32
    %dma_start3A_592 = arith.constant 0 : i32
    %dma_start3A_593 = arith.constant 0 : i32
    %dma_start3A_594 = tpu.memref_slice %arg8[%dma_start3A_590, %dma_start3A_592, %dma_start3A_593] : memref<4x128x128xf32, #tpu.memory_space<vmem>> -> memref<1x128x128xf32, #tpu.memory_space<vmem>>
    %dma_start3A_595 = tpu.memref_squeeze %dma_start3A_594 : memref<1x128x128xf32, #tpu.memory_space<vmem>> -> memref<128x128xf32, #tpu.memory_space<vmem>>
    %dma_start3A_596 = arith.constant 0 : i32
    %dma_start3A_597 = tpu.memref_slice %arg6[%dma_start3A_589, %dma_start3A_596] : memref<104x128xi32, #tpu.memory_space<vmem>> -> memref<1x128xi32, #tpu.memory_space<vmem>>
    %dma_start3A_598 = tpu.memref_squeeze %dma_start3A_597 : memref<1x128xi32, #tpu.memory_space<vmem>> -> memref<128xi32, #tpu.memory_space<vmem>>
    %dma_start3A_599 = arith.constant 0 : i32
    %dma_start3A_600 = arith.constant 0 : i32
    %dma_start3A_601 = tpu.memref_slice %arg4[%dma_start3A_599, %dma_start3A_600] : memref<2600000x128xf32, #tpu.memory_space<hbm>> -> memref<2600000x128xf32, #tpu.memory_space<hbm>>
    %dma_start3A_602 = tpu.memref_slice %arg9[%dma_start3A_591] : memref<4x!tpu.dma_semaphore, #tpu.memory_space<semaphore_mem>> -> memref<1x!tpu.dma_semaphore, #tpu.memory_space<semaphore_mem>>
    %dma_start3A_603 = tpu.memref_squeeze %dma_start3A_602 : memref<1x!tpu.dma_semaphore, #tpu.memory_space<semaphore_mem>> -> memref<!tpu.dma_semaphore, #tpu.memory_space<semaphore_mem>>
    tpu.enqueue_indirect_dma source(%dma_start3A_601 : memref<2600000x128xf32, #tpu.memory_space<hbm>>) target(%dma_start3A_595 : memref<128x128xf32, #tpu.memory_space<vmem>>) offsets(%dma_start3A_598 : memref<128xi32, #tpu.memory_space<vmem>>) semaphore(%dma_start3A_603 : memref<!tpu.dma_semaphore, #tpu.memory_space<semaphore_mem>>)
    %scan3A = arith.constant 0 : i32
    %scan3A_604 = arith.constant 0 : i32
    %scan3A_605 = arith.constant 25 : i32
    %scan3A_606 = arith.addi %scan3A_604, %scan3A_605 : i32
    %scan3A_607 = arith.constant 1 : i32
    scf.for %scan3A_812 = %scan3A_604 to %scan3A_606 step %scan3A_607  : i32 {
      %mul3A_813 = arith.constant 4 : i32
      %mul3A_814 = arith.muli %scan3A_812, %mul3A_813 : i32
      %add3A_815 = arith.constant 0 : i32
      %add3A_816 = arith.addi %mul3A_814, %add3A_815 : i32
      %dma_wait3A_817 = arith.constant 0 : i32
      %dma_wait3A_818 = arith.constant 0 : i32
      %dma_wait3A_819 = arith.constant 0 : i32
      %dma_wait3A_820 = arith.constant 0 : i32
      %dma_wait3A_821 = tpu.memref_slice %arg8[%dma_wait3A_817, %dma_wait3A_819, %dma_wait3A_820] : memref<4x128x128xf32, #tpu.memory_space<vmem>> -> memref<1x128x128xf32, #tpu.memory_space<vmem>>
      %dma_wait3A_822 = tpu.memref_squeeze %dma_wait3A_821 : memref<1x128x128xf32, #tpu.memory_space<vmem>> -> memref<128x128xf32, #tpu.memory_space<vmem>>
      %dma_wait3A_823 = arith.constant 0 : i32
      %dma_wait3A_824 = tpu.memref_slice %arg6[%add3A_816, %dma_wait3A_823] : memref<104x128xi32, #tpu.memory_space<vmem>> -> memref<1x128xi32, #tpu.memory_space<vmem>>
      %dma_wait3A_825 = tpu.memref_squeeze %dma_wait3A_824 : memref<1x128xi32, #tpu.memory_space<vmem>> -> memref<128xi32, #tpu.memory_space<vmem>>
      %dma_wait3A_826 = arith.constant 0 : i32
      %dma_wait3A_827 = arith.constant 0 : i32
      %dma_wait3A_828 = tpu.memref_slice %arg4[%dma_wait3A_826, %dma_wait3A_827] : memref<2600000x128xf32, #tpu.memory_space<hbm>> -> memref<2600000x128xf32, #tpu.memory_space<hbm>>
      %dma_wait3A_829 = tpu.memref_slice %arg9[%dma_wait3A_818] : memref<4x!tpu.dma_semaphore, #tpu.memory_space<semaphore_mem>> -> memref<1x!tpu.dma_semaphore, #tpu.memory_space<semaphore_mem>>
      %dma_wait3A_830 = tpu.memref_squeeze %dma_wait3A_829 : memref<1x!tpu.dma_semaphore, #tpu.memory_space<semaphore_mem>> -> memref<!tpu.dma_semaphore, #tpu.memory_space<semaphore_mem>>
      tpu.wait_indirect_dma semaphore(%dma_wait3A_830 : memref<!tpu.dma_semaphore, #tpu.memory_space<semaphore_mem>>) src(%dma_wait3A_828 : memref<2600000x128xf32, #tpu.memory_space<hbm>>) dst(%dma_wait3A_822 : memref<128x128xf32, #tpu.memory_space<vmem>>)
      %mul3A_831 = arith.constant 128 : i32
      %mul3A_832 = arith.muli %add3A_816, %mul3A_831 : i32
      %add3A_833 = arith.addi %mul3A_2, %mul3A_832 : i32
      %dma_start3A_834 = arith.constant 0 : i32
      %dma_start3A_835 = arith.constant 0 : i32
      %dma_start3A_836 = arith.constant 0 : i32
      %dma_start3A_837 = arith.constant 0 : i32
      %dma_start3A_838 = tpu.memref_slice %arg8[%dma_start3A_834, %dma_start3A_836, %dma_start3A_837] : memref<4x128x128xf32, #tpu.memory_space<vmem>> -> memref<1x128x64xf32, #tpu.memory_space<vmem>>
      %dma_start3A_839 = tpu.memref_squeeze %dma_start3A_838 : memref<1x128x64xf32, #tpu.memory_space<vmem>> -> memref<128x64xf32, #tpu.memory_space<vmem>>
      %dma_start3A_840 = arith.constant 0 : i32
      %dma_start3A_841 = tpu.memref_slice %arg5[%add3A_833, %dma_start3A_840] : memref<425984x64xf32, #tpu.memory_space<hbm>> -> memref<128x64xf32, #tpu.memory_space<hbm>>
      %dma_start3A_842 = tpu.memref_slice %arg10[%dma_start3A_835] : memref<4x!tpu.dma_semaphore, #tpu.memory_space<semaphore_mem>> -> memref<1x!tpu.dma_semaphore, #tpu.memory_space<semaphore_mem>>
      %dma_start3A_843 = tpu.memref_squeeze %dma_start3A_842 : memref<1x!tpu.dma_semaphore, #tpu.memory_space<semaphore_mem>> -> memref<!tpu.dma_semaphore, #tpu.memory_space<semaphore_mem>>
      %dma_start3A_844 = arith.constant 0 : i32
      %dma_start3A_845 = tpu.memref_slice %arg5[%add3A_833, %dma_start3A_844] : memref<425984x64xf32, #tpu.memory_space<hbm>> -> memref<128x64xf32, #tpu.memory_space<hbm>>
      %dma_start3A_846 = arith.constant 0 : i32
      %dma_start3A_847 = arith.constant 0 : i32
      %dma_start3A_848 = tpu.memref_slice %arg8[%dma_start3A_834, %dma_start3A_846, %dma_start3A_847] : memref<4x128x128xf32, #tpu.memory_space<vmem>> -> memref<1x128x64xf32, #tpu.memory_space<vmem>>
      %dma_start3A_849 = tpu.memref_squeeze %dma_start3A_848 : memref<1x128x64xf32, #tpu.memory_space<vmem>> -> memref<128x64xf32, #tpu.memory_space<vmem>>
      tpu.enqueue_dma source(%dma_start3A_849 : memref<128x64xf32, #tpu.memory_space<vmem>>) target(%dma_start3A_845 : memref<128x64xf32, #tpu.memory_space<hbm>>) target_semaphore(%dma_start3A_843 : memref<!tpu.dma_semaphore, #tpu.memory_space<semaphore_mem>>)
      %add3A_850 = arith.constant 4 : i32
      %add3A_851 = arith.addi %add3A_816, %add3A_850 : i32
      %get3A_852 = arith.index_cast %add3A_851 : i32 to index
      %get3A_853 = arith.constant 0 : index
      %get3A_854 = tpu.vector_load %arg6[%get3A_852, %get3A_853] {strides = array<i32>} : memref<104x128xi32, #tpu.memory_space<vmem>>, vector<1x16xi32>,
      %get3A_855 = vector.shape_cast %get3A_854 : vector<1x16xi32> to vector<16xi32>
      %get3A_856 = arith.index_cast %add3A_851 : i32 to index
      %get3A_857 = arith.constant 0 : index
      %get3A_858 = tpu.vector_load %arg7[%get3A_856, %get3A_857] {strides = array<i32>} : memref<104x128xi32, #tpu.memory_space<vmem>>, vector<1x16xi32>,
      %get3A_859 = vector.shape_cast %get3A_858 : vector<1x16xi32> to vector<16xi32>
      %add3A_860 = arith.addi %get3A_855, %get3A_859 : vector<16xi32>
      %swap3A_861 = arith.index_cast %add3A_851 : i32 to index
      %swap3A_862 = arith.constant 0 : index
      %swap3A_863 = tpu.vector_load %arg6[%swap3A_861, %swap3A_862] {strides = array<i32>} : memref<104x128xi32, #tpu.memory_space<vmem>>, vector<1x16xi32>,
      %swap3A_864 = vector.shape_cast %swap3A_863 : vector<1x16xi32> to vector<16xi32>
      %swap3A_865 = vector.shape_cast %add3A_860 : vector<16xi32> to vector<1x16xi32>
      tpu.vector_store %arg6[%swap3A_861, %swap3A_862], %swap3A_865 {strides = array<i32>} : memref<104x128xi32, #tpu.memory_space<vmem>>, vector<1x16xi32>,
      %get3A_866 = arith.index_cast %add3A_851 : i32 to index
      %get3A_867 = arith.constant 16 : index
      %get3A_868 = tpu.vector_load %arg6[%get3A_866, %get3A_867] {strides = array<i32>} : memref<104x128xi32, #tpu.memory_space<vmem>>, vector<1x16xi32>,
      %get3A_869 = vector.shape_cast %get3A_868 : vector<1x16xi32> to vector<16xi32>
      %get3A_870 = arith.index_cast %add3A_851 : i32 to index
      %get3A_871 = arith.constant 16 : index
      %get3A_872 = tpu.vector_load %arg7[%get3A_870, %get3A_871] {strides = array<i32>} : memref<104x128xi32, #tpu.memory_space<vmem>>, vector<1x16xi32>,
      %get3A_873 = vector.shape_cast %get3A_872 : vector<1x16xi32> to vector<16xi32>
      %add3A_874 = arith.addi %get3A_869, %get3A_873 : vector<16xi32>
      %swap3A_875 = arith.index_cast %add3A_851 : i32 to index
      %swap3A_876 = arith.constant 16 : index
      %swap3A_877 = tpu.vector_load %arg6[%swap3A_875, %swap3A_876] {strides = array<i32>} : memref<104x128xi32, #tpu.memory_space<vmem>>, vector<1x16xi32>,
      %swap3A_878 = vector.shape_cast %swap3A_877 : vector<1x16xi32> to vector<16xi32>
      %swap3A_879 = vector.shape_cast %add3A_874 : vector<16xi32> to vector<1x16xi32>
      tpu.vector_store %arg6[%swap3A_875, %swap3A_876], %swap3A_879 {strides = array<i32>} : memref<104x128xi32, #tpu.memory_space<vmem>>, vector<1x16xi32>,
      %get3A_880 = arith.index_cast %add3A_851 : i32 to index
      %get3A_881 = arith.constant 32 : index
      %get3A_882 = tpu.vector_load %arg6[%get3A_880, %get3A_881] {strides = array<i32>} : memref<104x128xi32, #tpu.memory_space<vmem>>, vector<1x16xi32>,
      %get3A_883 = vector.shape_cast %get3A_882 : vector<1x16xi32> to vector<16xi32>
      %get3A_884 = arith.index_cast %add3A_851 : i32 to index
      %get3A_885 = arith.constant 32 : index
      %get3A_886 = tpu.vector_load %arg7[%get3A_884, %get3A_885] {strides = array<i32>} : memref<104x128xi32, #tpu.memory_space<vmem>>, vector<1x16xi32>,
      %get3A_887 = vector.shape_cast %get3A_886 : vector<1x16xi32> to vector<16xi32>
      %add3A_888 = arith.addi %get3A_883, %get3A_887 : vector<16xi32>
      %swap3A_889 = arith.index_cast %add3A_851 : i32 to index
      %swap3A_890 = arith.constant 32 : index
      %swap3A_891 = tpu.vector_load %arg6[%swap3A_889, %swap3A_890] {strides = array<i32>} : memref<104x128xi32, #tpu.memory_space<vmem>>, vector<1x16xi32>,
      %swap3A_892 = vector.shape_cast %swap3A_891 : vector<1x16xi32> to vector<16xi32>
      %swap3A_893 = vector.shape_cast %add3A_888 : vector<16xi32> to vector<1x16xi32>
      tpu.vector_store %arg6[%swap3A_889, %swap3A_890], %swap3A_893 {strides = array<i32>} : memref<104x128xi32, #tpu.memory_space<vmem>>, vector<1x16xi32>,
      %get3A_894 = arith.index_cast %add3A_851 : i32 to index
      %get3A_895 = arith.constant 48 : index
      %get3A_896 = tpu.vector_load %arg6[%get3A_894, %get3A_895] {strides = array<i32>} : memref<104x128xi32, #tpu.memory_space<vmem>>, vector<1x16xi32>,
      %get3A_897 = vector.shape_cast %get3A_896 : vector<1x16xi32> to vector<16xi32>
      %get3A_898 = arith.index_cast %add3A_851 : i32 to index
      %get3A_899 = arith.constant 48 : index
      %get3A_900 = tpu.vector_load %arg7[%get3A_898, %get3A_899] {strides = array<i32>} : memref<104x128xi32, #tpu.memory_space<vmem>>, vector<1x16xi32>,
      %get3A_901 = vector.shape_cast %get3A_900 : vector<1x16xi32> to vector<16xi32>
      %add3A_902 = arith.addi %get3A_897, %get3A_901 : vector<16xi32>
      %swap3A_903 = arith.index_cast %add3A_851 : i32 to index
      %swap3A_904 = arith.constant 48 : index
      %swap3A_905 = tpu.vector_load %arg6[%swap3A_903, %swap3A_904] {strides = array<i32>} : memref<104x128xi32, #tpu.memory_space<vmem>>, vector<1x16xi32>,
      %swap3A_906 = vector.shape_cast %swap3A_905 : vector<1x16xi32> to vector<16xi32>
      %swap3A_907 = vector.shape_cast %add3A_902 : vector<16xi32> to vector<1x16xi32>
      tpu.vector_store %arg6[%swap3A_903, %swap3A_904], %swap3A_907 {strides = array<i32>} : memref<104x128xi32, #tpu.memory_space<vmem>>, vector<1x16xi32>,
      %get3A_908 = arith.index_cast %add3A_851 : i32 to index
      %get3A_909 = arith.constant 64 : index
      %get3A_910 = tpu.vector_load %arg6[%get3A_908, %get3A_909] {strides = array<i32>} : memref<104x128xi32, #tpu.memory_space<vmem>>, vector<1x16xi32>,
      %get3A_911 = vector.shape_cast %get3A_910 : vector<1x16xi32> to vector<16xi32>
      %get3A_912 = arith.index_cast %add3A_851 : i32 to index
      %get3A_913 = arith.constant 64 : index
      %get3A_914 = tpu.vector_load %arg7[%get3A_912, %get3A_913] {strides = array<i32>} : memref<104x128xi32, #tpu.memory_space<vmem>>, vector<1x16xi32>,
      %get3A_915 = vector.shape_cast %get3A_914 : vector<1x16xi32> to vector<16xi32>
      %add3A_916 = arith.addi %get3A_911, %get3A_915 : vector<16xi32>
      %swap3A_917 = arith.index_cast %add3A_851 : i32 to index
      %swap3A_918 = arith.constant 64 : index
      %swap3A_919 = tpu.vector_load %arg6[%swap3A_917, %swap3A_918] {strides = array<i32>} : memref<104x128xi32, #tpu.memory_space<vmem>>, vector<1x16xi32>,
      %swap3A_920 = vector.shape_cast %swap3A_919 : vector<1x16xi32> to vector<16xi32>
      %swap3A_921 = vector.shape_cast %add3A_916 : vector<16xi32> to vector<1x16xi32>
      tpu.vector_store %arg6[%swap3A_917, %swap3A_918], %swap3A_921 {strides = array<i32>} : memref<104x128xi32, #tpu.memory_space<vmem>>, vector<1x16xi32>,
      %get3A_922 = arith.index_cast %add3A_851 : i32 to index
      %get3A_923 = arith.constant 80 : index
      %get3A_924 = tpu.vector_load %arg6[%get3A_922, %get3A_923] {strides = array<i32>} : memref<104x128xi32, #tpu.memory_space<vmem>>, vector<1x16xi32>,
      %get3A_925 = vector.shape_cast %get3A_924 : vector<1x16xi32> to vector<16xi32>
      %get3A_926 = arith.index_cast %add3A_851 : i32 to index
      %get3A_927 = arith.constant 80 : index
      %get3A_928 = tpu.vector_load %arg7[%get3A_926, %get3A_927] {strides = array<i32>} : memref<104x128xi32, #tpu.memory_space<vmem>>, vector<1x16xi32>,
      %get3A_929 = vector.shape_cast %get3A_928 : vector<1x16xi32> to vector<16xi32>
      %add3A_930 = arith.addi %get3A_925, %get3A_929 : vector<16xi32>
      %swap3A_931 = arith.index_cast %add3A_851 : i32 to index
      %swap3A_932 = arith.constant 80 : index
      %swap3A_933 = tpu.vector_load %arg6[%swap3A_931, %swap3A_932] {strides = array<i32>} : memref<104x128xi32, #tpu.memory_space<vmem>>, vector<1x16xi32>,
      %swap3A_934 = vector.shape_cast %swap3A_933 : vector<1x16xi32> to vector<16xi32>
      %swap3A_935 = vector.shape_cast %add3A_930 : vector<16xi32> to vector<1x16xi32>
      tpu.vector_store %arg6[%swap3A_931, %swap3A_932], %swap3A_935 {strides = array<i32>} : memref<104x128xi32, #tpu.memory_space<vmem>>, vector<1x16xi32>,
      %get3A_936 = arith.index_cast %add3A_851 : i32 to index
      %get3A_937 = arith.constant 96 : index
      %get3A_938 = tpu.vector_load %arg6[%get3A_936, %get3A_937] {strides = array<i32>} : memref<104x128xi32, #tpu.memory_space<vmem>>, vector<1x16xi32>,
      %get3A_939 = vector.shape_cast %get3A_938 : vector<1x16xi32> to vector<16xi32>
      %get3A_940 = arith.index_cast %add3A_851 : i32 to index
      %get3A_941 = arith.constant 96 : index
      %get3A_942 = tpu.vector_load %arg7[%get3A_940, %get3A_941] {strides = array<i32>} : memref<104x128xi32, #tpu.memory_space<vmem>>, vector<1x16xi32>,
      %get3A_943 = vector.shape_cast %get3A_942 : vector<1x16xi32> to vector<16xi32>
      %add3A_944 = arith.addi %get3A_939, %get3A_943 : vector<16xi32>
      %swap3A_945 = arith.index_cast %add3A_851 : i32 to index
      %swap3A_946 = arith.constant 96 : index
      %swap3A_947 = tpu.vector_load %arg6[%swap3A_945, %swap3A_946] {strides = array<i32>} : memref<104x128xi32, #tpu.memory_space<vmem>>, vector<1x16xi32>,
      %swap3A_948 = vector.shape_cast %swap3A_947 : vector<1x16xi32> to vector<16xi32>
      %swap3A_949 = vector.shape_cast %add3A_944 : vector<16xi32> to vector<1x16xi32>
      tpu.vector_store %arg6[%swap3A_945, %swap3A_946], %swap3A_949 {strides = array<i32>} : memref<104x128xi32, #tpu.memory_space<vmem>>, vector<1x16xi32>,
      %get3A_950 = arith.index_cast %add3A_851 : i32 to index
      %get3A_951 = arith.constant 112 : index
      %get3A_952 = tpu.vector_load %arg6[%get3A_950, %get3A_951] {strides = array<i32>} : memref<104x128xi32, #tpu.memory_space<vmem>>, vector<1x16xi32>,
      %get3A_953 = vector.shape_cast %get3A_952 : vector<1x16xi32> to vector<16xi32>
      %get3A_954 = arith.index_cast %add3A_851 : i32 to index
      %get3A_955 = arith.constant 112 : index
      %get3A_956 = tpu.vector_load %arg7[%get3A_954, %get3A_955] {strides = array<i32>} : memref<104x128xi32, #tpu.memory_space<vmem>>, vector<1x16xi32>,
      %get3A_957 = vector.shape_cast %get3A_956 : vector<1x16xi32> to vector<16xi32>
      %add3A_958 = arith.addi %get3A_953, %get3A_957 : vector<16xi32>
      %swap3A_959 = arith.index_cast %add3A_851 : i32 to index
      %swap3A_960 = arith.constant 112 : index
      %swap3A_961 = tpu.vector_load %arg6[%swap3A_959, %swap3A_960] {strides = array<i32>} : memref<104x128xi32, #tpu.memory_space<vmem>>, vector<1x16xi32>,
      %swap3A_962 = vector.shape_cast %swap3A_961 : vector<1x16xi32> to vector<16xi32>
      %swap3A_963 = vector.shape_cast %add3A_958 : vector<16xi32> to vector<1x16xi32>
      tpu.vector_store %arg6[%swap3A_959, %swap3A_960], %swap3A_963 {strides = array<i32>} : memref<104x128xi32, #tpu.memory_space<vmem>>, vector<1x16xi32>,
      %mul3A_964 = arith.constant 128 : i32
      %mul3A_965 = arith.muli %add3A_816, %mul3A_964 : i32
      %add3A_966 = arith.addi %mul3A_2, %mul3A_965 : i32
      %dma_wait3A_967 = arith.constant 0 : i32
      %dma_wait3A_968 = arith.constant 0 : i32
      %dma_wait3A_969 = arith.constant 0 : i32
      %dma_wait3A_970 = arith.constant 0 : i32
      %dma_wait3A_971 = tpu.memref_slice %arg8[%dma_wait3A_967, %dma_wait3A_969, %dma_wait3A_970] : memref<4x128x128xf32, #tpu.memory_space<vmem>> -> memref<1x128x64xf32, #tpu.memory_space<vmem>>
      %dma_wait3A_972 = tpu.memref_squeeze %dma_wait3A_971 : memref<1x128x64xf32, #tpu.memory_space<vmem>> -> memref<128x64xf32, #tpu.memory_space<vmem>>
      %dma_wait3A_973 = arith.constant 0 : i32
      %dma_wait3A_974 = tpu.memref_slice %arg5[%add3A_966, %dma_wait3A_973] : memref<425984x64xf32, #tpu.memory_space<hbm>> -> memref<128x64xf32, #tpu.memory_space<hbm>>
      %dma_wait3A_975 = tpu.memref_slice %arg10[%dma_wait3A_968] : memref<4x!tpu.dma_semaphore, #tpu.memory_space<semaphore_mem>> -> memref<1x!tpu.dma_semaphore, #tpu.memory_space<semaphore_mem>>
      %dma_wait3A_976 = tpu.memref_squeeze %dma_wait3A_975 : memref<1x!tpu.dma_semaphore, #tpu.memory_space<semaphore_mem>> -> memref<!tpu.dma_semaphore, #tpu.memory_space<semaphore_mem>>
      %dma_wait3A_977 = arith.constant 0 : i32
      %dma_wait3A_978 = tpu.memref_slice %arg5[%add3A_966, %dma_wait3A_977] : memref<425984x64xf32, #tpu.memory_space<hbm>> -> memref<128x64xf32, #tpu.memory_space<hbm>>
      %dma_wait3A_979 = arith.constant 0 : i32
      %dma_wait3A_980 = arith.constant 0 : i32
      %dma_wait3A_981 = tpu.memref_slice %arg8[%dma_wait3A_967, %dma_wait3A_979, %dma_wait3A_980] : memref<4x128x128xf32, #tpu.memory_space<vmem>> -> memref<1x128x64xf32, #tpu.memory_space<vmem>>
      %dma_wait3A_982 = tpu.memref_squeeze %dma_wait3A_981 : memref<1x128x64xf32, #tpu.memory_space<vmem>> -> memref<128x64xf32, #tpu.memory_space<vmem>>
      tpu.wait_dma2 semaphore(%dma_wait3A_976 : memref<!tpu.dma_semaphore, #tpu.memory_space<semaphore_mem>>) src(%dma_wait3A_982 : memref<128x64xf32, #tpu.memory_space<vmem>>) dst(%dma_wait3A_978 : memref<128x64xf32, #tpu.memory_space<hbm>>)
      %dma_start3A_983 = arith.constant 0 : i32
      %dma_start3A_984 = arith.constant 0 : i32
      %dma_start3A_985 = arith.constant 0 : i32
      %dma_start3A_986 = arith.constant 0 : i32
      %dma_start3A_987 = tpu.memref_slice %arg8[%dma_start3A_983, %dma_start3A_985, %dma_start3A_986] : memref<4x128x128xf32, #tpu.memory_space<vmem>> -> memref<1x128x128xf32, #tpu.memory_space<vmem>>
      %dma_start3A_988 = tpu.memref_squeeze %dma_start3A_987 : memref<1x128x128xf32, #tpu.memory_space<vmem>> -> memref<128x128xf32, #tpu.memory_space<vmem>>
      %dma_start3A_989 = arith.constant 0 : i32
      %dma_start3A_990 = tpu.memref_slice %arg6[%add3A_851, %dma_start3A_989] : memref<104x128xi32, #tpu.memory_space<vmem>> -> memref<1x128xi32, #tpu.memory_space<vmem>>
      %dma_start3A_991 = tpu.memref_squeeze %dma_start3A_990 : memref<1x128xi32, #tpu.memory_space<vmem>> -> memref<128xi32, #tpu.memory_space<vmem>>
      %dma_start3A_992 = arith.constant 0 : i32
      %dma_start3A_993 = arith.constant 0 : i32
      %dma_start3A_994 = tpu.memref_slice %arg4[%dma_start3A_992, %dma_start3A_993] : memref<2600000x128xf32, #tpu.memory_space<hbm>> -> memref<2600000x128xf32, #tpu.memory_space<hbm>>
      %dma_start3A_995 = tpu.memref_slice %arg9[%dma_start3A_984] : memref<4x!tpu.dma_semaphore, #tpu.memory_space<semaphore_mem>> -> memref<1x!tpu.dma_semaphore, #tpu.memory_space<semaphore_mem>>
      %dma_start3A_996 = tpu.memref_squeeze %dma_start3A_995 : memref<1x!tpu.dma_semaphore, #tpu.memory_space<semaphore_mem>> -> memref<!tpu.dma_semaphore, #tpu.memory_space<semaphore_mem>>
      tpu.enqueue_indirect_dma source(%dma_start3A_994 : memref<2600000x128xf32, #tpu.memory_space<hbm>>) target(%dma_start3A_988 : memref<128x128xf32, #tpu.memory_space<vmem>>) offsets(%dma_start3A_991 : memref<128xi32, #tpu.memory_space<vmem>>) semaphore(%dma_start3A_996 : memref<!tpu.dma_semaphore, #tpu.memory_space<semaphore_mem>>)
      %mul3A_997 = arith.constant 4 : i32
      %mul3A_998 = arith.muli %scan3A_812, %mul3A_997 : i32
      %add3A_999 = arith.constant 1 : i32
      %add3A_1000 = arith.addi %mul3A_998, %add3A_999 : i32
      %dma_wait3A_1001 = arith.constant 1 : i32
      %dma_wait3A_1002 = arith.constant 1 : i32
      %dma_wait3A_1003 = arith.constant 0 : i32
      %dma_wait3A_1004 = arith.constant 0 : i32
      %dma_wait3A_1005 = tpu.memref_slice %arg8[%dma_wait3A_1001, %dma_wait3A_1003, %dma_wait3A_1004] : memref<4x128x128xf32, #tpu.memory_space<vmem>> -> memref<1x128x128xf32, #tpu.memory_space<vmem>>
      %dma_wait3A_1006 = tpu.memref_squeeze %dma_wait3A_1005 : memref<1x128x128xf32, #tpu.memory_space<vmem>> -> memref<128x128xf32, #tpu.memory_space<vmem>>
      %dma_wait3A_1007 = arith.constant 0 : i32
      %dma_wait3A_1008 = tpu.memref_slice %arg6[%add3A_1000, %dma_wait3A_1007] : memref<104x128xi32, #tpu.memory_space<vmem>> -> memref<1x128xi32, #tpu.memory_space<vmem>>
      %dma_wait3A_1009 = tpu.memref_squeeze %dma_wait3A_1008 : memref<1x128xi32, #tpu.memory_space<vmem>> -> memref<128xi32, #tpu.memory_space<vmem>>
      %dma_wait3A_1010 = arith.constant 0 : i32
      %dma_wait3A_1011 = arith.constant 0 : i32
      %dma_wait3A_1012 = tpu.memref_slice %arg4[%dma_wait3A_1010, %dma_wait3A_1011] : memref<2600000x128xf32, #tpu.memory_space<hbm>> -> memref<2600000x128xf32, #tpu.memory_space<hbm>>
      %dma_wait3A_1013 = tpu.memref_slice %arg9[%dma_wait3A_1002] : memref<4x!tpu.dma_semaphore, #tpu.memory_space<semaphore_mem>> -> memref<1x!tpu.dma_semaphore, #tpu.memory_space<semaphore_mem>>
      %dma_wait3A_1014 = tpu.memref_squeeze %dma_wait3A_1013 : memref<1x!tpu.dma_semaphore, #tpu.memory_space<semaphore_mem>> -> memref<!tpu.dma_semaphore, #tpu.memory_space<semaphore_mem>>
      tpu.wait_indirect_dma semaphore(%dma_wait3A_1014 : memref<!tpu.dma_semaphore, #tpu.memory_space<semaphore_mem>>) src(%dma_wait3A_1012 : memref<2600000x128xf32, #tpu.memory_space<hbm>>) dst(%dma_wait3A_1006 : memref<128x128xf32, #tpu.memory_space<vmem>>)
      %mul3A_1015 = arith.constant 128 : i32
      %mul3A_1016 = arith.muli %add3A_1000, %mul3A_1015 : i32
      %add3A_1017 = arith.addi %mul3A_2, %mul3A_1016 : i32
      %dma_start3A_1018 = arith.constant 1 : i32
      %dma_start3A_1019 = arith.constant 1 : i32
      %dma_start3A_1020 = arith.constant 0 : i32
      %dma_start3A_1021 = arith.constant 0 : i32
      %dma_start3A_1022 = tpu.memref_slice %arg8[%dma_start3A_1018, %dma_start3A_1020, %dma_start3A_1021] : memref<4x128x128xf32, #tpu.memory_space<vmem>> -> memref<1x128x64xf32, #tpu.memory_space<vmem>>
      %dma_start3A_1023 = tpu.memref_squeeze %dma_start3A_1022 : memref<1x128x64xf32, #tpu.memory_space<vmem>> -> memref<128x64xf32, #tpu.memory_space<vmem>>
      %dma_start3A_1024 = arith.constant 0 : i32
      %dma_start3A_1025 = tpu.memref_slice %arg5[%add3A_1017, %dma_start3A_1024] : memref<425984x64xf32, #tpu.memory_space<hbm>> -> memref<128x64xf32, #tpu.memory_space<hbm>>
      %dma_start3A_1026 = tpu.memref_slice %arg10[%dma_start3A_1019] : memref<4x!tpu.dma_semaphore, #tpu.memory_space<semaphore_mem>> -> memref<1x!tpu.dma_semaphore, #tpu.memory_space<semaphore_mem>>
      %dma_start3A_1027 = tpu.memref_squeeze %dma_start3A_1026 : memref<1x!tpu.dma_semaphore, #tpu.memory_space<semaphore_mem>> -> memref<!tpu.dma_semaphore, #tpu.memory_space<semaphore_mem>>
      %dma_start3A_1028 = arith.constant 0 : i32
      %dma_start3A_1029 = tpu.memref_slice %arg5[%add3A_1017, %dma_start3A_1028] : memref<425984x64xf32, #tpu.memory_space<hbm>> -> memref<128x64xf32, #tpu.memory_space<hbm>>
      %dma_start3A_1030 = arith.constant 0 : i32
      %dma_start3A_1031 = arith.constant 0 : i32
      %dma_start3A_1032 = tpu.memref_slice %arg8[%dma_start3A_1018, %dma_start3A_1030, %dma_start3A_1031] : memref<4x128x128xf32, #tpu.memory_space<vmem>> -> memref<1x128x64xf32, #tpu.memory_space<vmem>>
      %dma_start3A_1033 = tpu.memref_squeeze %dma_start3A_1032 : memref<1x128x64xf32, #tpu.memory_space<vmem>> -> memref<128x64xf32, #tpu.memory_space<vmem>>
      tpu.enqueue_dma source(%dma_start3A_1033 : memref<128x64xf32, #tpu.memory_space<vmem>>) target(%dma_start3A_1029 : memref<128x64xf32, #tpu.memory_space<hbm>>) target_semaphore(%dma_start3A_1027 : memref<!tpu.dma_semaphore, #tpu.memory_space<semaphore_mem>>)
      %add3A_1034 = arith.constant 4 : i32
      %add3A_1035 = arith.addi %add3A_1000, %add3A_1034 : i32
      %get3A_1036 = arith.index_cast %add3A_1035 : i32 to index
      %get3A_1037 = arith.constant 0 : index
      %get3A_1038 = tpu.vector_load %arg6[%get3A_1036, %get3A_1037] {strides = array<i32>} : memref<104x128xi32, #tpu.memory_space<vmem>>, vector<1x16xi32>,
      %get3A_1039 = vector.shape_cast %get3A_1038 : vector<1x16xi32> to vector<16xi32>
      %get3A_1040 = arith.index_cast %add3A_1035 : i32 to index
      %get3A_1041 = arith.constant 0 : index
      %get3A_1042 = tpu.vector_load %arg7[%get3A_1040, %get3A_1041] {strides = array<i32>} : memref<104x128xi32, #tpu.memory_space<vmem>>, vector<1x16xi32>,
      %get3A_1043 = vector.shape_cast %get3A_1042 : vector<1x16xi32> to vector<16xi32>
      %add3A_1044 = arith.addi %get3A_1039, %get3A_1043 : vector<16xi32>
      %swap3A_1045 = arith.index_cast %add3A_1035 : i32 to index
      %swap3A_1046 = arith.constant 0 : index
      %swap3A_1047 = tpu.vector_load %arg6[%swap3A_1045, %swap3A_1046] {strides = array<i32>} : memref<104x128xi32, #tpu.memory_space<vmem>>, vector<1x16xi32>,
      %swap3A_1048 = vector.shape_cast %swap3A_1047 : vector<1x16xi32> to vector<16xi32>
      %swap3A_1049 = vector.shape_cast %add3A_1044 : vector<16xi32> to vector<1x16xi32>
      tpu.vector_store %arg6[%swap3A_1045, %swap3A_1046], %swap3A_1049 {strides = array<i32>} : memref<104x128xi32, #tpu.memory_space<vmem>>, vector<1x16xi32>,
      %get3A_1050 = arith.index_cast %add3A_1035 : i32 to index
      %get3A_1051 = arith.constant 16 : index
      %get3A_1052 = tpu.vector_load %arg6[%get3A_1050, %get3A_1051] {strides = array<i32>} : memref<104x128xi32, #tpu.memory_space<vmem>>, vector<1x16xi32>,
      %get3A_1053 = vector.shape_cast %get3A_1052 : vector<1x16xi32> to vector<16xi32>
      %get3A_1054 = arith.index_cast %add3A_1035 : i32 to index
      %get3A_1055 = arith.constant 16 : index
      %get3A_1056 = tpu.vector_load %arg7[%get3A_1054, %get3A_1055] {strides = array<i32>} : memref<104x128xi32, #tpu.memory_space<vmem>>, vector<1x16xi32>,
      %get3A_1057 = vector.shape_cast %get3A_1056 : vector<1x16xi32> to vector<16xi32>
      %add3A_1058 = arith.addi %get3A_1053, %get3A_1057 : vector<16xi32>
      %swap3A_1059 = arith.index_cast %add3A_1035 : i32 to index
      %swap3A_1060 = arith.constant 16 : index
      %swap3A_1061 = tpu.vector_load %arg6[%swap3A_1059, %swap3A_1060] {strides = array<i32>} : memref<104x128xi32, #tpu.memory_space<vmem>>, vector<1x16xi32>,
      %swap3A_1062 = vector.shape_cast %swap3A_1061 : vector<1x16xi32> to vector<16xi32>
      %swap3A_1063 = vector.shape_cast %add3A_1058 : vector<16xi32> to vector<1x16xi32>
      tpu.vector_store %arg6[%swap3A_1059, %swap3A_1060], %swap3A_1063 {strides = array<i32>} : memref<104x128xi32, #tpu.memory_space<vmem>>, vector<1x16xi32>,
      %get3A_1064 = arith.index_cast %add3A_1035 : i32 to index
      %get3A_1065 = arith.constant 32 : index
      %get3A_1066 = tpu.vector_load %arg6[%get3A_1064, %get3A_1065] {strides = array<i32>} : memref<104x128xi32, #tpu.memory_space<vmem>>, vector<1x16xi32>,
      %get3A_1067 = vector.shape_cast %get3A_1066 : vector<1x16xi32> to vector<16xi32>
      %get3A_1068 = arith.index_cast %add3A_1035 : i32 to index
      %get3A_1069 = arith.constant 32 : index
      %get3A_1070 = tpu.vector_load %arg7[%get3A_1068, %get3A_1069] {strides = array<i32>} : memref<104x128xi32, #tpu.memory_space<vmem>>, vector<1x16xi32>,
      %get3A_1071 = vector.shape_cast %get3A_1070 : vector<1x16xi32> to vector<16xi32>
      %add3A_1072 = arith.addi %get3A_1067, %get3A_1071 : vector<16xi32>
      %swap3A_1073 = arith.index_cast %add3A_1035 : i32 to index
      %swap3A_1074 = arith.constant 32 : index
      %swap3A_1075 = tpu.vector_load %arg6[%swap3A_1073, %swap3A_1074] {strides = array<i32>} : memref<104x128xi32, #tpu.memory_space<vmem>>, vector<1x16xi32>,
      %swap3A_1076 = vector.shape_cast %swap3A_1075 : vector<1x16xi32> to vector<16xi32>
      %swap3A_1077 = vector.shape_cast %add3A_1072 : vector<16xi32> to vector<1x16xi32>
      tpu.vector_store %arg6[%swap3A_1073, %swap3A_1074], %swap3A_1077 {strides = array<i32>} : memref<104x128xi32, #tpu.memory_space<vmem>>, vector<1x16xi32>,
      %get3A_1078 = arith.index_cast %add3A_1035 : i32 to index
      %get3A_1079 = arith.constant 48 : index
      %get3A_1080 = tpu.vector_load %arg6[%get3A_1078, %get3A_1079] {strides = array<i32>} : memref<104x128xi32, #tpu.memory_space<vmem>>, vector<1x16xi32>,
      %get3A_1081 = vector.shape_cast %get3A_1080 : vector<1x16xi32> to vector<16xi32>
      %get3A_1082 = arith.index_cast %add3A_1035 : i32 to index
      %get3A_1083 = arith.constant 48 : index
      %get3A_1084 = tpu.vector_load %arg7[%get3A_1082, %get3A_1083] {strides = array<i32>} : memref<104x128xi32, #tpu.memory_space<vmem>>, vector<1x16xi32>,
      %get3A_1085 = vector.shape_cast %get3A_1084 : vector<1x16xi32> to vector<16xi32>
      %add3A_1086 = arith.addi %get3A_1081, %get3A_1085 : vector<16xi32>
      %swap3A_1087 = arith.index_cast %add3A_1035 : i32 to index
      %swap3A_1088 = arith.constant 48 : index
      %swap3A_1089 = tpu.vector_load %arg6[%swap3A_1087, %swap3A_1088] {strides = array<i32>} : memref<104x128xi32, #tpu.memory_space<vmem>>, vector<1x16xi32>,
      %swap3A_1090 = vector.shape_cast %swap3A_1089 : vector<1x16xi32> to vector<16xi32>
      %swap3A_1091 = vector.shape_cast %add3A_1086 : vector<16xi32> to vector<1x16xi32>
      tpu.vector_store %arg6[%swap3A_1087, %swap3A_1088], %swap3A_1091 {strides = array<i32>} : memref<104x128xi32, #tpu.memory_space<vmem>>, vector<1x16xi32>,
      %get3A_1092 = arith.index_cast %add3A_1035 : i32 to index
      %get3A_1093 = arith.constant 64 : index
      %get3A_1094 = tpu.vector_load %arg6[%get3A_1092, %get3A_1093] {strides = array<i32>} : memref<104x128xi32, #tpu.memory_space<vmem>>, vector<1x16xi32>,
      %get3A_1095 = vector.shape_cast %get3A_1094 : vector<1x16xi32> to vector<16xi32>
      %get3A_1096 = arith.index_cast %add3A_1035 : i32 to index
      %get3A_1097 = arith.constant 64 : index
      %get3A_1098 = tpu.vector_load %arg7[%get3A_1096, %get3A_1097] {strides = array<i32>} : memref<104x128xi32, #tpu.memory_space<vmem>>, vector<1x16xi32>,
      %get3A_1099 = vector.shape_cast %get3A_1098 : vector<1x16xi32> to vector<16xi32>
      %add3A_1100 = arith.addi %get3A_1095, %get3A_1099 : vector<16xi32>
      %swap3A_1101 = arith.index_cast %add3A_1035 : i32 to index
      %swap3A_1102 = arith.constant 64 : index
      %swap3A_1103 = tpu.vector_load %arg6[%swap3A_1101, %swap3A_1102] {strides = array<i32>} : memref<104x128xi32, #tpu.memory_space<vmem>>, vector<1x16xi32>,
      %swap3A_1104 = vector.shape_cast %swap3A_1103 : vector<1x16xi32> to vector<16xi32>
      %swap3A_1105 = vector.shape_cast %add3A_1100 : vector<16xi32> to vector<1x16xi32>
      tpu.vector_store %arg6[%swap3A_1101, %swap3A_1102], %swap3A_1105 {strides = array<i32>} : memref<104x128xi32, #tpu.memory_space<vmem>>, vector<1x16xi32>,
      %get3A_1106 = arith.index_cast %add3A_1035 : i32 to index
      %get3A_1107 = arith.constant 80 : index
      %get3A_1108 = tpu.vector_load %arg6[%get3A_1106, %get3A_1107] {strides = array<i32>} : memref<104x128xi32, #tpu.memory_space<vmem>>, vector<1x16xi32>,
      %get3A_1109 = vector.shape_cast %get3A_1108 : vector<1x16xi32> to vector<16xi32>
      %get3A_1110 = arith.index_cast %add3A_1035 : i32 to index
      %get3A_1111 = arith.constant 80 : index
      %get3A_1112 = tpu.vector_load %arg7[%get3A_1110, %get3A_1111] {strides = array<i32>} : memref<104x128xi32, #tpu.memory_space<vmem>>, vector<1x16xi32>,
      %get3A_1113 = vector.shape_cast %get3A_1112 : vector<1x16xi32> to vector<16xi32>
      %add3A_1114 = arith.addi %get3A_1109, %get3A_1113 : vector<16xi32>
      %swap3A_1115 = arith.index_cast %add3A_1035 : i32 to index
      %swap3A_1116 = arith.constant 80 : index
      %swap3A_1117 = tpu.vector_load %arg6[%swap3A_1115, %swap3A_1116] {strides = array<i32>} : memref<104x128xi32, #tpu.memory_space<vmem>>, vector<1x16xi32>,
      %swap3A_1118 = vector.shape_cast %swap3A_1117 : vector<1x16xi32> to vector<16xi32>
      %swap3A_1119 = vector.shape_cast %add3A_1114 : vector<16xi32> to vector<1x16xi32>
      tpu.vector_store %arg6[%swap3A_1115, %swap3A_1116], %swap3A_1119 {strides = array<i32>} : memref<104x128xi32, #tpu.memory_space<vmem>>, vector<1x16xi32>,
      %get3A_1120 = arith.index_cast %add3A_1035 : i32 to index
      %get3A_1121 = arith.constant 96 : index
      %get3A_1122 = tpu.vector_load %arg6[%get3A_1120, %get3A_1121] {strides = array<i32>} : memref<104x128xi32, #tpu.memory_space<vmem>>, vector<1x16xi32>,
      %get3A_1123 = vector.shape_cast %get3A_1122 : vector<1x16xi32> to vector<16xi32>
      %get3A_1124 = arith.index_cast %add3A_1035 : i32 to index
      %get3A_1125 = arith.constant 96 : index
      %get3A_1126 = tpu.vector_load %arg7[%get3A_1124, %get3A_1125] {strides = array<i32>} : memref<104x128xi32, #tpu.memory_space<vmem>>, vector<1x16xi32>,
      %get3A_1127 = vector.shape_cast %get3A_1126 : vector<1x16xi32> to vector<16xi32>
      %add3A_1128 = arith.addi %get3A_1123, %get3A_1127 : vector<16xi32>
      %swap3A_1129 = arith.index_cast %add3A_1035 : i32 to index
      %swap3A_1130 = arith.constant 96 : index
      %swap3A_1131 = tpu.vector_load %arg6[%swap3A_1129, %swap3A_1130] {strides = array<i32>} : memref<104x128xi32, #tpu.memory_space<vmem>>, vector<1x16xi32>,
      %swap3A_1132 = vector.shape_cast %swap3A_1131 : vector<1x16xi32> to vector<16xi32>
      %swap3A_1133 = vector.shape_cast %add3A_1128 : vector<16xi32> to vector<1x16xi32>
      tpu.vector_store %arg6[%swap3A_1129, %swap3A_1130], %swap3A_1133 {strides = array<i32>} : memref<104x128xi32, #tpu.memory_space<vmem>>, vector<1x16xi32>,
      %get3A_1134 = arith.index_cast %add3A_1035 : i32 to index
      %get3A_1135 = arith.constant 112 : index
      %get3A_1136 = tpu.vector_load %arg6[%get3A_1134, %get3A_1135] {strides = array<i32>} : memref<104x128xi32, #tpu.memory_space<vmem>>, vector<1x16xi32>,
      %get3A_1137 = vector.shape_cast %get3A_1136 : vector<1x16xi32> to vector<16xi32>
      %get3A_1138 = arith.index_cast %add3A_1035 : i32 to index
      %get3A_1139 = arith.constant 112 : index
      %get3A_1140 = tpu.vector_load %arg7[%get3A_1138, %get3A_1139] {strides = array<i32>} : memref<104x128xi32, #tpu.memory_space<vmem>>, vector<1x16xi32>,
      %get3A_1141 = vector.shape_cast %get3A_1140 : vector<1x16xi32> to vector<16xi32>
      %add3A_1142 = arith.addi %get3A_1137, %get3A_1141 : vector<16xi32>
      %swap3A_1143 = arith.index_cast %add3A_1035 : i32 to index
      %swap3A_1144 = arith.constant 112 : index
      %swap3A_1145 = tpu.vector_load %arg6[%swap3A_1143, %swap3A_1144] {strides = array<i32>} : memref<104x128xi32, #tpu.memory_space<vmem>>, vector<1x16xi32>,
      %swap3A_1146 = vector.shape_cast %swap3A_1145 : vector<1x16xi32> to vector<16xi32>
      %swap3A_1147 = vector.shape_cast %add3A_1142 : vector<16xi32> to vector<1x16xi32>
      tpu.vector_store %arg6[%swap3A_1143, %swap3A_1144], %swap3A_1147 {strides = array<i32>} : memref<104x128xi32, #tpu.memory_space<vmem>>, vector<1x16xi32>,
      %mul3A_1148 = arith.constant 128 : i32
      %mul3A_1149 = arith.muli %add3A_1000, %mul3A_1148 : i32
      %add3A_1150 = arith.addi %mul3A_2, %mul3A_1149 : i32
      %dma_wait3A_1151 = arith.constant 1 : i32
      %dma_wait3A_1152 = arith.constant 1 : i32
      %dma_wait3A_1153 = arith.constant 0 : i32
      %dma_wait3A_1154 = arith.constant 0 : i32
      %dma_wait3A_1155 = tpu.memref_slice %arg8[%dma_wait3A_1151, %dma_wait3A_1153, %dma_wait3A_1154] : memref<4x128x128xf32, #tpu.memory_space<vmem>> -> memref<1x128x64xf32, #tpu.memory_space<vmem>>
      %dma_wait3A_1156 = tpu.memref_squeeze %dma_wait3A_1155 : memref<1x128x64xf32, #tpu.memory_space<vmem>> -> memref<128x64xf32, #tpu.memory_space<vmem>>
      %dma_wait3A_1157 = arith.constant 0 : i32
      %dma_wait3A_1158 = tpu.memref_slice %arg5[%add3A_1150, %dma_wait3A_1157] : memref<425984x64xf32, #tpu.memory_space<hbm>> -> memref<128x64xf32, #tpu.memory_space<hbm>>
      %dma_wait3A_1159 = tpu.memref_slice %arg10[%dma_wait3A_1152] : memref<4x!tpu.dma_semaphore, #tpu.memory_space<semaphore_mem>> -> memref<1x!tpu.dma_semaphore, #tpu.memory_space<semaphore_mem>>
      %dma_wait3A_1160 = tpu.memref_squeeze %dma_wait3A_1159 : memref<1x!tpu.dma_semaphore, #tpu.memory_space<semaphore_mem>> -> memref<!tpu.dma_semaphore, #tpu.memory_space<semaphore_mem>>
      %dma_wait3A_1161 = arith.constant 0 : i32
      %dma_wait3A_1162 = tpu.memref_slice %arg5[%add3A_1150, %dma_wait3A_1161] : memref<425984x64xf32, #tpu.memory_space<hbm>> -> memref<128x64xf32, #tpu.memory_space<hbm>>
      %dma_wait3A_1163 = arith.constant 0 : i32
      %dma_wait3A_1164 = arith.constant 0 : i32
      %dma_wait3A_1165 = tpu.memref_slice %arg8[%dma_wait3A_1151, %dma_wait3A_1163, %dma_wait3A_1164] : memref<4x128x128xf32, #tpu.memory_space<vmem>> -> memref<1x128x64xf32, #tpu.memory_space<vmem>>
      %dma_wait3A_1166 = tpu.memref_squeeze %dma_wait3A_1165 : memref<1x128x64xf32, #tpu.memory_space<vmem>> -> memref<128x64xf32, #tpu.memory_space<vmem>>
      tpu.wait_dma2 semaphore(%dma_wait3A_1160 : memref<!tpu.dma_semaphore, #tpu.memory_space<semaphore_mem>>) src(%dma_wait3A_1166 : memref<128x64xf32, #tpu.memory_space<vmem>>) dst(%dma_wait3A_1162 : memref<128x64xf32, #tpu.memory_space<hbm>>)
      %dma_start3A_1167 = arith.constant 1 : i32
      %dma_start3A_1168 = arith.constant 1 : i32
      %dma_start3A_1169 = arith.constant 0 : i32
      %dma_start3A_1170 = arith.constant 0 : i32
      %dma_start3A_1171 = tpu.memref_slice %arg8[%dma_start3A_1167, %dma_start3A_1169, %dma_start3A_1170] : memref<4x128x128xf32, #tpu.memory_space<vmem>> -> memref<1x128x128xf32, #tpu.memory_space<vmem>>
      %dma_start3A_1172 = tpu.memref_squeeze %dma_start3A_1171 : memref<1x128x128xf32, #tpu.memory_space<vmem>> -> memref<128x128xf32, #tpu.memory_space<vmem>>
      %dma_start3A_1173 = arith.constant 0 : i32
      %dma_start3A_1174 = tpu.memref_slice %arg6[%add3A_1035, %dma_start3A_1173] : memref<104x128xi32, #tpu.memory_space<vmem>> -> memref<1x128xi32, #tpu.memory_space<vmem>>
      %dma_start3A_1175 = tpu.memref_squeeze %dma_start3A_1174 : memref<1x128xi32, #tpu.memory_space<vmem>> -> memref<128xi32, #tpu.memory_space<vmem>>
      %dma_start3A_1176 = arith.constant 0 : i32
      %dma_start3A_1177 = arith.constant 0 : i32
      %dma_start3A_1178 = tpu.memref_slice %arg4[%dma_start3A_1176, %dma_start3A_1177] : memref<2600000x128xf32, #tpu.memory_space<hbm>> -> memref<2600000x128xf32, #tpu.memory_space<hbm>>
      %dma_start3A_1179 = tpu.memref_slice %arg9[%dma_start3A_1168] : memref<4x!tpu.dma_semaphore, #tpu.memory_space<semaphore_mem>> -> memref<1x!tpu.dma_semaphore, #tpu.memory_space<semaphore_mem>>
      %dma_start3A_1180 = tpu.memref_squeeze %dma_start3A_1179 : memref<1x!tpu.dma_semaphore, #tpu.memory_space<semaphore_mem>> -> memref<!tpu.dma_semaphore, #tpu.memory_space<semaphore_mem>>
      tpu.enqueue_indirect_dma source(%dma_start3A_1178 : memref<2600000x128xf32, #tpu.memory_space<hbm>>) target(%dma_start3A_1172 : memref<128x128xf32, #tpu.memory_space<vmem>>) offsets(%dma_start3A_1175 : memref<128xi32, #tpu.memory_space<vmem>>) semaphore(%dma_start3A_1180 : memref<!tpu.dma_semaphore, #tpu.memory_space<semaphore_mem>>)
      %mul3A_1181 = arith.constant 4 : i32
      %mul3A_1182 = arith.muli %scan3A_812, %mul3A_1181 : i32
      %add3A_1183 = arith.constant 2 : i32
      %add3A_1184 = arith.addi %mul3A_1182, %add3A_1183 : i32
      %dma_wait3A_1185 = arith.constant 2 : i32
      %dma_wait3A_1186 = arith.constant 2 : i32
      %dma_wait3A_1187 = arith.constant 0 : i32
      %dma_wait3A_1188 = arith.constant 0 : i32
      %dma_wait3A_1189 = tpu.memref_slice %arg8[%dma_wait3A_1185, %dma_wait3A_1187, %dma_wait3A_1188] : memref<4x128x128xf32, #tpu.memory_space<vmem>> -> memref<1x128x128xf32, #tpu.memory_space<vmem>>
      %dma_wait3A_1190 = tpu.memref_squeeze %dma_wait3A_1189 : memref<1x128x128xf32, #tpu.memory_space<vmem>> -> memref<128x128xf32, #tpu.memory_space<vmem>>
      %dma_wait3A_1191 = arith.constant 0 : i32
      %dma_wait3A_1192 = tpu.memref_slice %arg6[%add3A_1184, %dma_wait3A_1191] : memref<104x128xi32, #tpu.memory_space<vmem>> -> memref<1x128xi32, #tpu.memory_space<vmem>>
      %dma_wait3A_1193 = tpu.memref_squeeze %dma_wait3A_1192 : memref<1x128xi32, #tpu.memory_space<vmem>> -> memref<128xi32, #tpu.memory_space<vmem>>
      %dma_wait3A_1194 = arith.constant 0 : i32
      %dma_wait3A_1195 = arith.constant 0 : i32
      %dma_wait3A_1196 = tpu.memref_slice %arg4[%dma_wait3A_1194, %dma_wait3A_1195] : memref<2600000x128xf32, #tpu.memory_space<hbm>> -> memref<2600000x128xf32, #tpu.memory_space<hbm>>
      %dma_wait3A_1197 = tpu.memref_slice %arg9[%dma_wait3A_1186] : memref<4x!tpu.dma_semaphore, #tpu.memory_space<semaphore_mem>> -> memref<1x!tpu.dma_semaphore, #tpu.memory_space<semaphore_mem>>
      %dma_wait3A_1198 = tpu.memref_squeeze %dma_wait3A_1197 : memref<1x!tpu.dma_semaphore, #tpu.memory_space<semaphore_mem>> -> memref<!tpu.dma_semaphore, #tpu.memory_space<semaphore_mem>>
      tpu.wait_indirect_dma semaphore(%dma_wait3A_1198 : memref<!tpu.dma_semaphore, #tpu.memory_space<semaphore_mem>>) src(%dma_wait3A_1196 : memref<2600000x128xf32, #tpu.memory_space<hbm>>) dst(%dma_wait3A_1190 : memref<128x128xf32, #tpu.memory_space<vmem>>)
      %mul3A_1199 = arith.constant 128 : i32
      %mul3A_1200 = arith.muli %add3A_1184, %mul3A_1199 : i32
      %add3A_1201 = arith.addi %mul3A_2, %mul3A_1200 : i32
      %dma_start3A_1202 = arith.constant 2 : i32
      %dma_start3A_1203 = arith.constant 2 : i32
      %dma_start3A_1204 = arith.constant 0 : i32
      %dma_start3A_1205 = arith.constant 0 : i32
      %dma_start3A_1206 = tpu.memref_slice %arg8[%dma_start3A_1202, %dma_start3A_1204, %dma_start3A_1205] : memref<4x128x128xf32, #tpu.memory_space<vmem>> -> memref<1x128x64xf32, #tpu.memory_space<vmem>>
      %dma_start3A_1207 = tpu.memref_squeeze %dma_start3A_1206 : memref<1x128x64xf32, #tpu.memory_space<vmem>> -> memref<128x64xf32, #tpu.memory_space<vmem>>
      %dma_start3A_1208 = arith.constant 0 : i32
      %dma_start3A_1209 = tpu.memref_slice %arg5[%add3A_1201, %dma_start3A_1208] : memref<425984x64xf32, #tpu.memory_space<hbm>> -> memref<128x64xf32, #tpu.memory_space<hbm>>
      %dma_start3A_1210 = tpu.memref_slice %arg10[%dma_start3A_1203] : memref<4x!tpu.dma_semaphore, #tpu.memory_space<semaphore_mem>> -> memref<1x!tpu.dma_semaphore, #tpu.memory_space<semaphore_mem>>
      %dma_start3A_1211 = tpu.memref_squeeze %dma_start3A_1210 : memref<1x!tpu.dma_semaphore, #tpu.memory_space<semaphore_mem>> -> memref<!tpu.dma_semaphore, #tpu.memory_space<semaphore_mem>>
      %dma_start3A_1212 = arith.constant 0 : i32
      %dma_start3A_1213 = tpu.memref_slice %arg5[%add3A_1201, %dma_start3A_1212] : memref<425984x64xf32, #tpu.memory_space<hbm>> -> memref<128x64xf32, #tpu.memory_space<hbm>>
      %dma_start3A_1214 = arith.constant 0 : i32
      %dma_start3A_1215 = arith.constant 0 : i32
      %dma_start3A_1216 = tpu.memref_slice %arg8[%dma_start3A_1202, %dma_start3A_1214, %dma_start3A_1215] : memref<4x128x128xf32, #tpu.memory_space<vmem>> -> memref<1x128x64xf32, #tpu.memory_space<vmem>>
      %dma_start3A_1217 = tpu.memref_squeeze %dma_start3A_1216 : memref<1x128x64xf32, #tpu.memory_space<vmem>> -> memref<128x64xf32, #tpu.memory_space<vmem>>
      tpu.enqueue_dma source(%dma_start3A_1217 : memref<128x64xf32, #tpu.memory_space<vmem>>) target(%dma_start3A_1213 : memref<128x64xf32, #tpu.memory_space<hbm>>) target_semaphore(%dma_start3A_1211 : memref<!tpu.dma_semaphore, #tpu.memory_space<semaphore_mem>>)
      %add3A_1218 = arith.constant 4 : i32
      %add3A_1219 = arith.addi %add3A_1184, %add3A_1218 : i32
      %get3A_1220 = arith.index_cast %add3A_1219 : i32 to index
      %get3A_1221 = arith.constant 0 : index
      %get3A_1222 = tpu.vector_load %arg6[%get3A_1220, %get3A_1221] {strides = array<i32>} : memref<104x128xi32, #tpu.memory_space<vmem>>, vector<1x16xi32>,
      %get3A_1223 = vector.shape_cast %get3A_1222 : vector<1x16xi32> to vector<16xi32>
      %get3A_1224 = arith.index_cast %add3A_1219 : i32 to index
      %get3A_1225 = arith.constant 0 : index
      %get3A_1226 = tpu.vector_load %arg7[%get3A_1224, %get3A_1225] {strides = array<i32>} : memref<104x128xi32, #tpu.memory_space<vmem>>, vector<1x16xi32>,
      %get3A_1227 = vector.shape_cast %get3A_1226 : vector<1x16xi32> to vector<16xi32>
      %add3A_1228 = arith.addi %get3A_1223, %get3A_1227 : vector<16xi32>
      %swap3A_1229 = arith.index_cast %add3A_1219 : i32 to index
      %swap3A_1230 = arith.constant 0 : index
      %swap3A_1231 = tpu.vector_load %arg6[%swap3A_1229, %swap3A_1230] {strides = array<i32>} : memref<104x128xi32, #tpu.memory_space<vmem>>, vector<1x16xi32>,
      %swap3A_1232 = vector.shape_cast %swap3A_1231 : vector<1x16xi32> to vector<16xi32>
      %swap3A_1233 = vector.shape_cast %add3A_1228 : vector<16xi32> to vector<1x16xi32>
      tpu.vector_store %arg6[%swap3A_1229, %swap3A_1230], %swap3A_1233 {strides = array<i32>} : memref<104x128xi32, #tpu.memory_space<vmem>>, vector<1x16xi32>,
      %get3A_1234 = arith.index_cast %add3A_1219 : i32 to index
      %get3A_1235 = arith.constant 16 : index
      %get3A_1236 = tpu.vector_load %arg6[%get3A_1234, %get3A_1235] {strides = array<i32>} : memref<104x128xi32, #tpu.memory_space<vmem>>, vector<1x16xi32>,
      %get3A_1237 = vector.shape_cast %get3A_1236 : vector<1x16xi32> to vector<16xi32>
      %get3A_1238 = arith.index_cast %add3A_1219 : i32 to index
      %get3A_1239 = arith.constant 16 : index
      %get3A_1240 = tpu.vector_load %arg7[%get3A_1238, %get3A_1239] {strides = array<i32>} : memref<104x128xi32, #tpu.memory_space<vmem>>, vector<1x16xi32>,
      %get3A_1241 = vector.shape_cast %get3A_1240 : vector<1x16xi32> to vector<16xi32>
      %add3A_1242 = arith.addi %get3A_1237, %get3A_1241 : vector<16xi32>
      %swap3A_1243 = arith.index_cast %add3A_1219 : i32 to index
      %swap3A_1244 = arith.constant 16 : index
      %swap3A_1245 = tpu.vector_load %arg6[%swap3A_1243, %swap3A_1244] {strides = array<i32>} : memref<104x128xi32, #tpu.memory_space<vmem>>, vector<1x16xi32>,
      %swap3A_1246 = vector.shape_cast %swap3A_1245 : vector<1x16xi32> to vector<16xi32>
      %swap3A_1247 = vector.shape_cast %add3A_1242 : vector<16xi32> to vector<1x16xi32>
      tpu.vector_store %arg6[%swap3A_1243, %swap3A_1244], %swap3A_1247 {strides = array<i32>} : memref<104x128xi32, #tpu.memory_space<vmem>>, vector<1x16xi32>,
      %get3A_1248 = arith.index_cast %add3A_1219 : i32 to index
      %get3A_1249 = arith.constant 32 : index
      %get3A_1250 = tpu.vector_load %arg6[%get3A_1248, %get3A_1249] {strides = array<i32>} : memref<104x128xi32, #tpu.memory_space<vmem>>, vector<1x16xi32>,
      %get3A_1251 = vector.shape_cast %get3A_1250 : vector<1x16xi32> to vector<16xi32>
      %get3A_1252 = arith.index_cast %add3A_1219 : i32 to index
      %get3A_1253 = arith.constant 32 : index
      %get3A_1254 = tpu.vector_load %arg7[%get3A_1252, %get3A_1253] {strides = array<i32>} : memref<104x128xi32, #tpu.memory_space<vmem>>, vector<1x16xi32>,
      %get3A_1255 = vector.shape_cast %get3A_1254 : vector<1x16xi32> to vector<16xi32>
      %add3A_1256 = arith.addi %get3A_1251, %get3A_1255 : vector<16xi32>
      %swap3A_1257 = arith.index_cast %add3A_1219 : i32 to index
      %swap3A_1258 = arith.constant 32 : index
      %swap3A_1259 = tpu.vector_load %arg6[%swap3A_1257, %swap3A_1258] {strides = array<i32>} : memref<104x128xi32, #tpu.memory_space<vmem>>, vector<1x16xi32>,
      %swap3A_1260 = vector.shape_cast %swap3A_1259 : vector<1x16xi32> to vector<16xi32>
      %swap3A_1261 = vector.shape_cast %add3A_1256 : vector<16xi32> to vector<1x16xi32>
      tpu.vector_store %arg6[%swap3A_1257, %swap3A_1258], %swap3A_1261 {strides = array<i32>} : memref<104x128xi32, #tpu.memory_space<vmem>>, vector<1x16xi32>,
      %get3A_1262 = arith.index_cast %add3A_1219 : i32 to index
      %get3A_1263 = arith.constant 48 : index
      %get3A_1264 = tpu.vector_load %arg6[%get3A_1262, %get3A_1263] {strides = array<i32>} : memref<104x128xi32, #tpu.memory_space<vmem>>, vector<1x16xi32>,
      %get3A_1265 = vector.shape_cast %get3A_1264 : vector<1x16xi32> to vector<16xi32>
      %get3A_1266 = arith.index_cast %add3A_1219 : i32 to index
      %get3A_1267 = arith.constant 48 : index
      %get3A_1268 = tpu.vector_load %arg7[%get3A_1266, %get3A_1267] {strides = array<i32>} : memref<104x128xi32, #tpu.memory_space<vmem>>, vector<1x16xi32>,
      %get3A_1269 = vector.shape_cast %get3A_1268 : vector<1x16xi32> to vector<16xi32>
      %add3A_1270 = arith.addi %get3A_1265, %get3A_1269 : vector<16xi32>
      %swap3A_1271 = arith.index_cast %add3A_1219 : i32 to index
      %swap3A_1272 = arith.constant 48 : index
      %swap3A_1273 = tpu.vector_load %arg6[%swap3A_1271, %swap3A_1272] {strides = array<i32>} : memref<104x128xi32, #tpu.memory_space<vmem>>, vector<1x16xi32>,
      %swap3A_1274 = vector.shape_cast %swap3A_1273 : vector<1x16xi32> to vector<16xi32>
      %swap3A_1275 = vector.shape_cast %add3A_1270 : vector<16xi32> to vector<1x16xi32>
      tpu.vector_store %arg6[%swap3A_1271, %swap3A_1272], %swap3A_1275 {strides = array<i32>} : memref<104x128xi32, #tpu.memory_space<vmem>>, vector<1x16xi32>,
      %get3A_1276 = arith.index_cast %add3A_1219 : i32 to index
      %get3A_1277 = arith.constant 64 : index
      %get3A_1278 = tpu.vector_load %arg6[%get3A_1276, %get3A_1277] {strides = array<i32>} : memref<104x128xi32, #tpu.memory_space<vmem>>, vector<1x16xi32>,
      %get3A_1279 = vector.shape_cast %get3A_1278 : vector<1x16xi32> to vector<16xi32>
      %get3A_1280 = arith.index_cast %add3A_1219 : i32 to index
      %get3A_1281 = arith.constant 64 : index
      %get3A_1282 = tpu.vector_load %arg7[%get3A_1280, %get3A_1281] {strides = array<i32>} : memref<104x128xi32, #tpu.memory_space<vmem>>, vector<1x16xi32>,
      %get3A_1283 = vector.shape_cast %get3A_1282 : vector<1x16xi32> to vector<16xi32>
      %add3A_1284 = arith.addi %get3A_1279, %get3A_1283 : vector<16xi32>
      %swap3A_1285 = arith.index_cast %add3A_1219 : i32 to index
      %swap3A_1286 = arith.constant 64 : index
      %swap3A_1287 = tpu.vector_load %arg6[%swap3A_1285, %swap3A_1286] {strides = array<i32>} : memref<104x128xi32, #tpu.memory_space<vmem>>, vector<1x16xi32>,
      %swap3A_1288 = vector.shape_cast %swap3A_1287 : vector<1x16xi32> to vector<16xi32>
      %swap3A_1289 = vector.shape_cast %add3A_1284 : vector<16xi32> to vector<1x16xi32>
      tpu.vector_store %arg6[%swap3A_1285, %swap3A_1286], %swap3A_1289 {strides = array<i32>} : memref<104x128xi32, #tpu.memory_space<vmem>>, vector<1x16xi32>,
      %get3A_1290 = arith.index_cast %add3A_1219 : i32 to index
      %get3A_1291 = arith.constant 80 : index
      %get3A_1292 = tpu.vector_load %arg6[%get3A_1290, %get3A_1291] {strides = array<i32>} : memref<104x128xi32, #tpu.memory_space<vmem>>, vector<1x16xi32>,
      %get3A_1293 = vector.shape_cast %get3A_1292 : vector<1x16xi32> to vector<16xi32>
      %get3A_1294 = arith.index_cast %add3A_1219 : i32 to index
      %get3A_1295 = arith.constant 80 : index
      %get3A_1296 = tpu.vector_load %arg7[%get3A_1294, %get3A_1295] {strides = array<i32>} : memref<104x128xi32, #tpu.memory_space<vmem>>, vector<1x16xi32>,
      %get3A_1297 = vector.shape_cast %get3A_1296 : vector<1x16xi32> to vector<16xi32>
      %add3A_1298 = arith.addi %get3A_1293, %get3A_1297 : vector<16xi32>
      %swap3A_1299 = arith.index_cast %add3A_1219 : i32 to index
      %swap3A_1300 = arith.constant 80 : index
      %swap3A_1301 = tpu.vector_load %arg6[%swap3A_1299, %swap3A_1300] {strides = array<i32>} : memref<104x128xi32, #tpu.memory_space<vmem>>, vector<1x16xi32>,
      %swap3A_1302 = vector.shape_cast %swap3A_1301 : vector<1x16xi32> to vector<16xi32>
      %swap3A_1303 = vector.shape_cast %add3A_1298 : vector<16xi32> to vector<1x16xi32>
      tpu.vector_store %arg6[%swap3A_1299, %swap3A_1300], %swap3A_1303 {strides = array<i32>} : memref<104x128xi32, #tpu.memory_space<vmem>>, vector<1x16xi32>,
      %get3A_1304 = arith.index_cast %add3A_1219 : i32 to index
      %get3A_1305 = arith.constant 96 : index
      %get3A_1306 = tpu.vector_load %arg6[%get3A_1304, %get3A_1305] {strides = array<i32>} : memref<104x128xi32, #tpu.memory_space<vmem>>, vector<1x16xi32>,
      %get3A_1307 = vector.shape_cast %get3A_1306 : vector<1x16xi32> to vector<16xi32>
      %get3A_1308 = arith.index_cast %add3A_1219 : i32 to index
      %get3A_1309 = arith.constant 96 : index
      %get3A_1310 = tpu.vector_load %arg7[%get3A_1308, %get3A_1309] {strides = array<i32>} : memref<104x128xi32, #tpu.memory_space<vmem>>, vector<1x16xi32>,
      %get3A_1311 = vector.shape_cast %get3A_1310 : vector<1x16xi32> to vector<16xi32>
      %add3A_1312 = arith.addi %get3A_1307, %get3A_1311 : vector<16xi32>
      %swap3A_1313 = arith.index_cast %add3A_1219 : i32 to index
      %swap3A_1314 = arith.constant 96 : index
      %swap3A_1315 = tpu.vector_load %arg6[%swap3A_1313, %swap3A_1314] {strides = array<i32>} : memref<104x128xi32, #tpu.memory_space<vmem>>, vector<1x16xi32>,
      %swap3A_1316 = vector.shape_cast %swap3A_1315 : vector<1x16xi32> to vector<16xi32>
      %swap3A_1317 = vector.shape_cast %add3A_1312 : vector<16xi32> to vector<1x16xi32>
      tpu.vector_store %arg6[%swap3A_1313, %swap3A_1314], %swap3A_1317 {strides = array<i32>} : memref<104x128xi32, #tpu.memory_space<vmem>>, vector<1x16xi32>,
      %get3A_1318 = arith.index_cast %add3A_1219 : i32 to index
      %get3A_1319 = arith.constant 112 : index
      %get3A_1320 = tpu.vector_load %arg6[%get3A_1318, %get3A_1319] {strides = array<i32>} : memref<104x128xi32, #tpu.memory_space<vmem>>, vector<1x16xi32>,
      %get3A_1321 = vector.shape_cast %get3A_1320 : vector<1x16xi32> to vector<16xi32>
      %get3A_1322 = arith.index_cast %add3A_1219 : i32 to index
      %get3A_1323 = arith.constant 112 : index
      %get3A_1324 = tpu.vector_load %arg7[%get3A_1322, %get3A_1323] {strides = array<i32>} : memref<104x128xi32, #tpu.memory_space<vmem>>, vector<1x16xi32>,
      %get3A_1325 = vector.shape_cast %get3A_1324 : vector<1x16xi32> to vector<16xi32>
      %add3A_1326 = arith.addi %get3A_1321, %get3A_1325 : vector<16xi32>
      %swap3A_1327 = arith.index_cast %add3A_1219 : i32 to index
      %swap3A_1328 = arith.constant 112 : index
      %swap3A_1329 = tpu.vector_load %arg6[%swap3A_1327, %swap3A_1328] {strides = array<i32>} : memref<104x128xi32, #tpu.memory_space<vmem>>, vector<1x16xi32>,
      %swap3A_1330 = vector.shape_cast %swap3A_1329 : vector<1x16xi32> to vector<16xi32>
      %swap3A_1331 = vector.shape_cast %add3A_1326 : vector<16xi32> to vector<1x16xi32>
      tpu.vector_store %arg6[%swap3A_1327, %swap3A_1328], %swap3A_1331 {strides = array<i32>} : memref<104x128xi32, #tpu.memory_space<vmem>>, vector<1x16xi32>,
      %mul3A_1332 = arith.constant 128 : i32
      %mul3A_1333 = arith.muli %add3A_1184, %mul3A_1332 : i32
      %add3A_1334 = arith.addi %mul3A_2, %mul3A_1333 : i32
      %dma_wait3A_1335 = arith.constant 2 : i32
      %dma_wait3A_1336 = arith.constant 2 : i32
      %dma_wait3A_1337 = arith.constant 0 : i32
      %dma_wait3A_1338 = arith.constant 0 : i32
      %dma_wait3A_1339 = tpu.memref_slice %arg8[%dma_wait3A_1335, %dma_wait3A_1337, %dma_wait3A_1338] : memref<4x128x128xf32, #tpu.memory_space<vmem>> -> memref<1x128x64xf32, #tpu.memory_space<vmem>>
      %dma_wait3A_1340 = tpu.memref_squeeze %dma_wait3A_1339 : memref<1x128x64xf32, #tpu.memory_space<vmem>> -> memref<128x64xf32, #tpu.memory_space<vmem>>
      %dma_wait3A_1341 = arith.constant 0 : i32
      %dma_wait3A_1342 = tpu.memref_slice %arg5[%add3A_1334, %dma_wait3A_1341] : memref<425984x64xf32, #tpu.memory_space<hbm>> -> memref<128x64xf32, #tpu.memory_space<hbm>>
      %dma_wait3A_1343 = tpu.memref_slice %arg10[%dma_wait3A_1336] : memref<4x!tpu.dma_semaphore, #tpu.memory_space<semaphore_mem>> -> memref<1x!tpu.dma_semaphore, #tpu.memory_space<semaphore_mem>>
      %dma_wait3A_1344 = tpu.memref_squeeze %dma_wait3A_1343 : memref<1x!tpu.dma_semaphore, #tpu.memory_space<semaphore_mem>> -> memref<!tpu.dma_semaphore, #tpu.memory_space<semaphore_mem>>
      %dma_wait3A_1345 = arith.constant 0 : i32
      %dma_wait3A_1346 = tpu.memref_slice %arg5[%add3A_1334, %dma_wait3A_1345] : memref<425984x64xf32, #tpu.memory_space<hbm>> -> memref<128x64xf32, #tpu.memory_space<hbm>>
      %dma_wait3A_1347 = arith.constant 0 : i32
      %dma_wait3A_1348 = arith.constant 0 : i32
      %dma_wait3A_1349 = tpu.memref_slice %arg8[%dma_wait3A_1335, %dma_wait3A_1347, %dma_wait3A_1348] : memref<4x128x128xf32, #tpu.memory_space<vmem>> -> memref<1x128x64xf32, #tpu.memory_space<vmem>>
      %dma_wait3A_1350 = tpu.memref_squeeze %dma_wait3A_1349 : memref<1x128x64xf32, #tpu.memory_space<vmem>> -> memref<128x64xf32, #tpu.memory_space<vmem>>
      tpu.wait_dma2 semaphore(%dma_wait3A_1344 : memref<!tpu.dma_semaphore, #tpu.memory_space<semaphore_mem>>) src(%dma_wait3A_1350 : memref<128x64xf32, #tpu.memory_space<vmem>>) dst(%dma_wait3A_1346 : memref<128x64xf32, #tpu.memory_space<hbm>>)
      %dma_start3A_1351 = arith.constant 2 : i32
      %dma_start3A_1352 = arith.constant 2 : i32
      %dma_start3A_1353 = arith.constant 0 : i32
      %dma_start3A_1354 = arith.constant 0 : i32
      %dma_start3A_1355 = tpu.memref_slice %arg8[%dma_start3A_1351, %dma_start3A_1353, %dma_start3A_1354] : memref<4x128x128xf32, #tpu.memory_space<vmem>> -> memref<1x128x128xf32, #tpu.memory_space<vmem>>
      %dma_start3A_1356 = tpu.memref_squeeze %dma_start3A_1355 : memref<1x128x128xf32, #tpu.memory_space<vmem>> -> memref<128x128xf32, #tpu.memory_space<vmem>>
      %dma_start3A_1357 = arith.constant 0 : i32
      %dma_start3A_1358 = tpu.memref_slice %arg6[%add3A_1219, %dma_start3A_1357] : memref<104x128xi32, #tpu.memory_space<vmem>> -> memref<1x128xi32, #tpu.memory_space<vmem>>
      %dma_start3A_1359 = tpu.memref_squeeze %dma_start3A_1358 : memref<1x128xi32, #tpu.memory_space<vmem>> -> memref<128xi32, #tpu.memory_space<vmem>>
      %dma_start3A_1360 = arith.constant 0 : i32
      %dma_start3A_1361 = arith.constant 0 : i32
      %dma_start3A_1362 = tpu.memref_slice %arg4[%dma_start3A_1360, %dma_start3A_1361] : memref<2600000x128xf32, #tpu.memory_space<hbm>> -> memref<2600000x128xf32, #tpu.memory_space<hbm>>
      %dma_start3A_1363 = tpu.memref_slice %arg9[%dma_start3A_1352] : memref<4x!tpu.dma_semaphore, #tpu.memory_space<semaphore_mem>> -> memref<1x!tpu.dma_semaphore, #tpu.memory_space<semaphore_mem>>
      %dma_start3A_1364 = tpu.memref_squeeze %dma_start3A_1363 : memref<1x!tpu.dma_semaphore, #tpu.memory_space<semaphore_mem>> -> memref<!tpu.dma_semaphore, #tpu.memory_space<semaphore_mem>>
      tpu.enqueue_indirect_dma source(%dma_start3A_1362 : memref<2600000x128xf32, #tpu.memory_space<hbm>>) target(%dma_start3A_1356 : memref<128x128xf32, #tpu.memory_space<vmem>>) offsets(%dma_start3A_1359 : memref<128xi32, #tpu.memory_space<vmem>>) semaphore(%dma_start3A_1364 : memref<!tpu.dma_semaphore, #tpu.memory_space<semaphore_mem>>)
      %mul3A_1365 = arith.constant 4 : i32
      %mul3A_1366 = arith.muli %scan3A_812, %mul3A_1365 : i32
      %add3A_1367 = arith.constant 3 : i32
      %add3A_1368 = arith.addi %mul3A_1366, %add3A_1367 : i32
      %dma_wait3A_1369 = arith.constant 3 : i32
      %dma_wait3A_1370 = arith.constant 3 : i32
      %dma_wait3A_1371 = arith.constant 0 : i32
      %dma_wait3A_1372 = arith.constant 0 : i32
      %dma_wait3A_1373 = tpu.memref_slice %arg8[%dma_wait3A_1369, %dma_wait3A_1371, %dma_wait3A_1372] : memref<4x128x128xf32, #tpu.memory_space<vmem>> -> memref<1x128x128xf32, #tpu.memory_space<vmem>>
      %dma_wait3A_1374 = tpu.memref_squeeze %dma_wait3A_1373 : memref<1x128x128xf32, #tpu.memory_space<vmem>> -> memref<128x128xf32, #tpu.memory_space<vmem>>
      %dma_wait3A_1375 = arith.constant 0 : i32
      %dma_wait3A_1376 = tpu.memref_slice %arg6[%add3A_1368, %dma_wait3A_1375] : memref<104x128xi32, #tpu.memory_space<vmem>> -> memref<1x128xi32, #tpu.memory_space<vmem>>
      %dma_wait3A_1377 = tpu.memref_squeeze %dma_wait3A_1376 : memref<1x128xi32, #tpu.memory_space<vmem>> -> memref<128xi32, #tpu.memory_space<vmem>>
      %dma_wait3A_1378 = arith.constant 0 : i32
      %dma_wait3A_1379 = arith.constant 0 : i32
      %dma_wait3A_1380 = tpu.memref_slice %arg4[%dma_wait3A_1378, %dma_wait3A_1379] : memref<2600000x128xf32, #tpu.memory_space<hbm>> -> memref<2600000x128xf32, #tpu.memory_space<hbm>>
      %dma_wait3A_1381 = tpu.memref_slice %arg9[%dma_wait3A_1370] : memref<4x!tpu.dma_semaphore, #tpu.memory_space<semaphore_mem>> -> memref<1x!tpu.dma_semaphore, #tpu.memory_space<semaphore_mem>>
      %dma_wait3A_1382 = tpu.memref_squeeze %dma_wait3A_1381 : memref<1x!tpu.dma_semaphore, #tpu.memory_space<semaphore_mem>> -> memref<!tpu.dma_semaphore, #tpu.memory_space<semaphore_mem>>
      tpu.wait_indirect_dma semaphore(%dma_wait3A_1382 : memref<!tpu.dma_semaphore, #tpu.memory_space<semaphore_mem>>) src(%dma_wait3A_1380 : memref<2600000x128xf32, #tpu.memory_space<hbm>>) dst(%dma_wait3A_1374 : memref<128x128xf32, #tpu.memory_space<vmem>>)
      %mul3A_1383 = arith.constant 128 : i32
      %mul3A_1384 = arith.muli %add3A_1368, %mul3A_1383 : i32
      %add3A_1385 = arith.addi %mul3A_2, %mul3A_1384 : i32
      %dma_start3A_1386 = arith.constant 3 : i32
      %dma_start3A_1387 = arith.constant 3 : i32
      %dma_start3A_1388 = arith.constant 0 : i32
      %dma_start3A_1389 = arith.constant 0 : i32
      %dma_start3A_1390 = tpu.memref_slice %arg8[%dma_start3A_1386, %dma_start3A_1388, %dma_start3A_1389] : memref<4x128x128xf32, #tpu.memory_space<vmem>> -> memref<1x128x64xf32, #tpu.memory_space<vmem>>
      %dma_start3A_1391 = tpu.memref_squeeze %dma_start3A_1390 : memref<1x128x64xf32, #tpu.memory_space<vmem>> -> memref<128x64xf32, #tpu.memory_space<vmem>>
      %dma_start3A_1392 = arith.constant 0 : i32
      %dma_start3A_1393 = tpu.memref_slice %arg5[%add3A_1385, %dma_start3A_1392] : memref<425984x64xf32, #tpu.memory_space<hbm>> -> memref<128x64xf32, #tpu.memory_space<hbm>>
      %dma_start3A_1394 = tpu.memref_slice %arg10[%dma_start3A_1387] : memref<4x!tpu.dma_semaphore, #tpu.memory_space<semaphore_mem>> -> memref<1x!tpu.dma_semaphore, #tpu.memory_space<semaphore_mem>>
      %dma_start3A_1395 = tpu.memref_squeeze %dma_start3A_1394 : memref<1x!tpu.dma_semaphore, #tpu.memory_space<semaphore_mem>> -> memref<!tpu.dma_semaphore, #tpu.memory_space<semaphore_mem>>
      %dma_start3A_1396 = arith.constant 0 : i32
      %dma_start3A_1397 = tpu.memref_slice %arg5[%add3A_1385, %dma_start3A_1396] : memref<425984x64xf32, #tpu.memory_space<hbm>> -> memref<128x64xf32, #tpu.memory_space<hbm>>
      %dma_start3A_1398 = arith.constant 0 : i32
      %dma_start3A_1399 = arith.constant 0 : i32
      %dma_start3A_1400 = tpu.memref_slice %arg8[%dma_start3A_1386, %dma_start3A_1398, %dma_start3A_1399] : memref<4x128x128xf32, #tpu.memory_space<vmem>> -> memref<1x128x64xf32, #tpu.memory_space<vmem>>
      %dma_start3A_1401 = tpu.memref_squeeze %dma_start3A_1400 : memref<1x128x64xf32, #tpu.memory_space<vmem>> -> memref<128x64xf32, #tpu.memory_space<vmem>>
      tpu.enqueue_dma source(%dma_start3A_1401 : memref<128x64xf32, #tpu.memory_space<vmem>>) target(%dma_start3A_1397 : memref<128x64xf32, #tpu.memory_space<hbm>>) target_semaphore(%dma_start3A_1395 : memref<!tpu.dma_semaphore, #tpu.memory_space<semaphore_mem>>)
      %add3A_1402 = arith.constant 4 : i32
      %add3A_1403 = arith.addi %add3A_1368, %add3A_1402 : i32
      %get3A_1404 = arith.index_cast %add3A_1403 : i32 to index
      %get3A_1405 = arith.constant 0 : index
      %get3A_1406 = tpu.vector_load %arg6[%get3A_1404, %get3A_1405] {strides = array<i32>} : memref<104x128xi32, #tpu.memory_space<vmem>>, vector<1x16xi32>,
      %get3A_1407 = vector.shape_cast %get3A_1406 : vector<1x16xi32> to vector<16xi32>
      %get3A_1408 = arith.index_cast %add3A_1403 : i32 to index
      %get3A_1409 = arith.constant 0 : index
      %get3A_1410 = tpu.vector_load %arg7[%get3A_1408, %get3A_1409] {strides = array<i32>} : memref<104x128xi32, #tpu.memory_space<vmem>>, vector<1x16xi32>,
      %get3A_1411 = vector.shape_cast %get3A_1410 : vector<1x16xi32> to vector<16xi32>
      %add3A_1412 = arith.addi %get3A_1407, %get3A_1411 : vector<16xi32>
      %swap3A_1413 = arith.index_cast %add3A_1403 : i32 to index
      %swap3A_1414 = arith.constant 0 : index
      %swap3A_1415 = tpu.vector_load %arg6[%swap3A_1413, %swap3A_1414] {strides = array<i32>} : memref<104x128xi32, #tpu.memory_space<vmem>>, vector<1x16xi32>,
      %swap3A_1416 = vector.shape_cast %swap3A_1415 : vector<1x16xi32> to vector<16xi32>
      %swap3A_1417 = vector.shape_cast %add3A_1412 : vector<16xi32> to vector<1x16xi32>
      tpu.vector_store %arg6[%swap3A_1413, %swap3A_1414], %swap3A_1417 {strides = array<i32>} : memref<104x128xi32, #tpu.memory_space<vmem>>, vector<1x16xi32>,
      %get3A_1418 = arith.index_cast %add3A_1403 : i32 to index
      %get3A_1419 = arith.constant 16 : index
      %get3A_1420 = tpu.vector_load %arg6[%get3A_1418, %get3A_1419] {strides = array<i32>} : memref<104x128xi32, #tpu.memory_space<vmem>>, vector<1x16xi32>,
      %get3A_1421 = vector.shape_cast %get3A_1420 : vector<1x16xi32> to vector<16xi32>
      %get3A_1422 = arith.index_cast %add3A_1403 : i32 to index
      %get3A_1423 = arith.constant 16 : index
      %get3A_1424 = tpu.vector_load %arg7[%get3A_1422, %get3A_1423] {strides = array<i32>} : memref<104x128xi32, #tpu.memory_space<vmem>>, vector<1x16xi32>,
      %get3A_1425 = vector.shape_cast %get3A_1424 : vector<1x16xi32> to vector<16xi32>
      %add3A_1426 = arith.addi %get3A_1421, %get3A_1425 : vector<16xi32>
      %swap3A_1427 = arith.index_cast %add3A_1403 : i32 to index
      %swap3A_1428 = arith.constant 16 : index
      %swap3A_1429 = tpu.vector_load %arg6[%swap3A_1427, %swap3A_1428] {strides = array<i32>} : memref<104x128xi32, #tpu.memory_space<vmem>>, vector<1x16xi32>,
      %swap3A_1430 = vector.shape_cast %swap3A_1429 : vector<1x16xi32> to vector<16xi32>
      %swap3A_1431 = vector.shape_cast %add3A_1426 : vector<16xi32> to vector<1x16xi32>
      tpu.vector_store %arg6[%swap3A_1427, %swap3A_1428], %swap3A_1431 {strides = array<i32>} : memref<104x128xi32, #tpu.memory_space<vmem>>, vector<1x16xi32>,
      %get3A_1432 = arith.index_cast %add3A_1403 : i32 to index
      %get3A_1433 = arith.constant 32 : index
      %get3A_1434 = tpu.vector_load %arg6[%get3A_1432, %get3A_1433] {strides = array<i32>} : memref<104x128xi32, #tpu.memory_space<vmem>>, vector<1x16xi32>,
      %get3A_1435 = vector.shape_cast %get3A_1434 : vector<1x16xi32> to vector<16xi32>
      %get3A_1436 = arith.index_cast %add3A_1403 : i32 to index
      %get3A_1437 = arith.constant 32 : index
      %get3A_1438 = tpu.vector_load %arg7[%get3A_1436, %get3A_1437] {strides = array<i32>} : memref<104x128xi32, #tpu.memory_space<vmem>>, vector<1x16xi32>,
      %get3A_1439 = vector.shape_cast %get3A_1438 : vector<1x16xi32> to vector<16xi32>
      %add3A_1440 = arith.addi %get3A_1435, %get3A_1439 : vector<16xi32>
      %swap3A_1441 = arith.index_cast %add3A_1403 : i32 to index
      %swap3A_1442 = arith.constant 32 : index
      %swap3A_1443 = tpu.vector_load %arg6[%swap3A_1441, %swap3A_1442] {strides = array<i32>} : memref<104x128xi32, #tpu.memory_space<vmem>>, vector<1x16xi32>,
      %swap3A_1444 = vector.shape_cast %swap3A_1443 : vector<1x16xi32> to vector<16xi32>
      %swap3A_1445 = vector.shape_cast %add3A_1440 : vector<16xi32> to vector<1x16xi32>
      tpu.vector_store %arg6[%swap3A_1441, %swap3A_1442], %swap3A_1445 {strides = array<i32>} : memref<104x128xi32, #tpu.memory_space<vmem>>, vector<1x16xi32>,
      %get3A_1446 = arith.index_cast %add3A_1403 : i32 to index
      %get3A_1447 = arith.constant 48 : index
      %get3A_1448 = tpu.vector_load %arg6[%get3A_1446, %get3A_1447] {strides = array<i32>} : memref<104x128xi32, #tpu.memory_space<vmem>>, vector<1x16xi32>,
      %get3A_1449 = vector.shape_cast %get3A_1448 : vector<1x16xi32> to vector<16xi32>
      %get3A_1450 = arith.index_cast %add3A_1403 : i32 to index
      %get3A_1451 = arith.constant 48 : index
      %get3A_1452 = tpu.vector_load %arg7[%get3A_1450, %get3A_1451] {strides = array<i32>} : memref<104x128xi32, #tpu.memory_space<vmem>>, vector<1x16xi32>,
      %get3A_1453 = vector.shape_cast %get3A_1452 : vector<1x16xi32> to vector<16xi32>
      %add3A_1454 = arith.addi %get3A_1449, %get3A_1453 : vector<16xi32>
      %swap3A_1455 = arith.index_cast %add3A_1403 : i32 to index
      %swap3A_1456 = arith.constant 48 : index
      %swap3A_1457 = tpu.vector_load %arg6[%swap3A_1455, %swap3A_1456] {strides = array<i32>} : memref<104x128xi32, #tpu.memory_space<vmem>>, vector<1x16xi32>,
      %swap3A_1458 = vector.shape_cast %swap3A_1457 : vector<1x16xi32> to vector<16xi32>
      %swap3A_1459 = vector.shape_cast %add3A_1454 : vector<16xi32> to vector<1x16xi32>
      tpu.vector_store %arg6[%swap3A_1455, %swap3A_1456], %swap3A_1459 {strides = array<i32>} : memref<104x128xi32, #tpu.memory_space<vmem>>, vector<1x16xi32>,
      %get3A_1460 = arith.index_cast %add3A_1403 : i32 to index
      %get3A_1461 = arith.constant 64 : index
      %get3A_1462 = tpu.vector_load %arg6[%get3A_1460, %get3A_1461] {strides = array<i32>} : memref<104x128xi32, #tpu.memory_space<vmem>>, vector<1x16xi32>,
      %get3A_1463 = vector.shape_cast %get3A_1462 : vector<1x16xi32> to vector<16xi32>
      %get3A_1464 = arith.index_cast %add3A_1403 : i32 to index
      %get3A_1465 = arith.constant 64 : index
      %get3A_1466 = tpu.vector_load %arg7[%get3A_1464, %get3A_1465] {strides = array<i32>} : memref<104x128xi32, #tpu.memory_space<vmem>>, vector<1x16xi32>,
      %get3A_1467 = vector.shape_cast %get3A_1466 : vector<1x16xi32> to vector<16xi32>
      %add3A_1468 = arith.addi %get3A_1463, %get3A_1467 : vector<16xi32>
      %swap3A_1469 = arith.index_cast %add3A_1403 : i32 to index
      %swap3A_1470 = arith.constant 64 : index
      %swap3A_1471 = tpu.vector_load %arg6[%swap3A_1469, %swap3A_1470] {strides = array<i32>} : memref<104x128xi32, #tpu.memory_space<vmem>>, vector<1x16xi32>,
      %swap3A_1472 = vector.shape_cast %swap3A_1471 : vector<1x16xi32> to vector<16xi32>
      %swap3A_1473 = vector.shape_cast %add3A_1468 : vector<16xi32> to vector<1x16xi32>
      tpu.vector_store %arg6[%swap3A_1469, %swap3A_1470], %swap3A_1473 {strides = array<i32>} : memref<104x128xi32, #tpu.memory_space<vmem>>, vector<1x16xi32>,
      %get3A_1474 = arith.index_cast %add3A_1403 : i32 to index
      %get3A_1475 = arith.constant 80 : index
      %get3A_1476 = tpu.vector_load %arg6[%get3A_1474, %get3A_1475] {strides = array<i32>} : memref<104x128xi32, #tpu.memory_space<vmem>>, vector<1x16xi32>,
      %get3A_1477 = vector.shape_cast %get3A_1476 : vector<1x16xi32> to vector<16xi32>
      %get3A_1478 = arith.index_cast %add3A_1403 : i32 to index
      %get3A_1479 = arith.constant 80 : index
      %get3A_1480 = tpu.vector_load %arg7[%get3A_1478, %get3A_1479] {strides = array<i32>} : memref<104x128xi32, #tpu.memory_space<vmem>>, vector<1x16xi32>,
      %get3A_1481 = vector.shape_cast %get3A_1480 : vector<1x16xi32> to vector<16xi32>
      %add3A_1482 = arith.addi %get3A_1477, %get3A_1481 : vector<16xi32>
      %swap3A_1483 = arith.index_cast %add3A_1403 : i32 to index
      %swap3A_1484 = arith.constant 80 : index
      %swap3A_1485 = tpu.vector_load %arg6[%swap3A_1483, %swap3A_1484] {strides = array<i32>} : memref<104x128xi32, #tpu.memory_space<vmem>>, vector<1x16xi32>,
      %swap3A_1486 = vector.shape_cast %swap3A_1485 : vector<1x16xi32> to vector<16xi32>
      %swap3A_1487 = vector.shape_cast %add3A_1482 : vector<16xi32> to vector<1x16xi32>
      tpu.vector_store %arg6[%swap3A_1483, %swap3A_1484], %swap3A_1487 {strides = array<i32>} : memref<104x128xi32, #tpu.memory_space<vmem>>, vector<1x16xi32>,
      %get3A_1488 = arith.index_cast %add3A_1403 : i32 to index
      %get3A_1489 = arith.constant 96 : index
      %get3A_1490 = tpu.vector_load %arg6[%get3A_1488, %get3A_1489] {strides = array<i32>} : memref<104x128xi32, #tpu.memory_space<vmem>>, vector<1x16xi32>,
      %get3A_1491 = vector.shape_cast %get3A_1490 : vector<1x16xi32> to vector<16xi32>
      %get3A_1492 = arith.index_cast %add3A_1403 : i32 to index
      %get3A_1493 = arith.constant 96 : index
      %get3A_1494 = tpu.vector_load %arg7[%get3A_1492, %get3A_1493] {strides = array<i32>} : memref<104x128xi32, #tpu.memory_space<vmem>>, vector<1x16xi32>,
      %get3A_1495 = vector.shape_cast %get3A_1494 : vector<1x16xi32> to vector<16xi32>
      %add3A_1496 = arith.addi %get3A_1491, %get3A_1495 : vector<16xi32>
      %swap3A_1497 = arith.index_cast %add3A_1403 : i32 to index
      %swap3A_1498 = arith.constant 96 : index
      %swap3A_1499 = tpu.vector_load %arg6[%swap3A_1497, %swap3A_1498] {strides = array<i32>} : memref<104x128xi32, #tpu.memory_space<vmem>>, vector<1x16xi32>,
      %swap3A_1500 = vector.shape_cast %swap3A_1499 : vector<1x16xi32> to vector<16xi32>
      %swap3A_1501 = vector.shape_cast %add3A_1496 : vector<16xi32> to vector<1x16xi32>
      tpu.vector_store %arg6[%swap3A_1497, %swap3A_1498], %swap3A_1501 {strides = array<i32>} : memref<104x128xi32, #tpu.memory_space<vmem>>, vector<1x16xi32>,
      %get3A_1502 = arith.index_cast %add3A_1403 : i32 to index
      %get3A_1503 = arith.constant 112 : index
      %get3A_1504 = tpu.vector_load %arg6[%get3A_1502, %get3A_1503] {strides = array<i32>} : memref<104x128xi32, #tpu.memory_space<vmem>>, vector<1x16xi32>,
      %get3A_1505 = vector.shape_cast %get3A_1504 : vector<1x16xi32> to vector<16xi32>
      %get3A_1506 = arith.index_cast %add3A_1403 : i32 to index
      %get3A_1507 = arith.constant 112 : index
      %get3A_1508 = tpu.vector_load %arg7[%get3A_1506, %get3A_1507] {strides = array<i32>} : memref<104x128xi32, #tpu.memory_space<vmem>>, vector<1x16xi32>,
      %get3A_1509 = vector.shape_cast %get3A_1508 : vector<1x16xi32> to vector<16xi32>
      %add3A_1510 = arith.addi %get3A_1505, %get3A_1509 : vector<16xi32>
      %swap3A_1511 = arith.index_cast %add3A_1403 : i32 to index
      %swap3A_1512 = arith.constant 112 : index
      %swap3A_1513 = tpu.vector_load %arg6[%swap3A_1511, %swap3A_1512] {strides = array<i32>} : memref<104x128xi32, #tpu.memory_space<vmem>>, vector<1x16xi32>,
      %swap3A_1514 = vector.shape_cast %swap3A_1513 : vector<1x16xi32> to vector<16xi32>
      %swap3A_1515 = vector.shape_cast %add3A_1510 : vector<16xi32> to vector<1x16xi32>
      tpu.vector_store %arg6[%swap3A_1511, %swap3A_1512], %swap3A_1515 {strides = array<i32>} : memref<104x128xi32, #tpu.memory_space<vmem>>, vector<1x16xi32>,
      %mul3A_1516 = arith.constant 128 : i32
      %mul3A_1517 = arith.muli %add3A_1368, %mul3A_1516 : i32
      %add3A_1518 = arith.addi %mul3A_2, %mul3A_1517 : i32
      %dma_wait3A_1519 = arith.constant 3 : i32
      %dma_wait3A_1520 = arith.constant 3 : i32
      %dma_wait3A_1521 = arith.constant 0 : i32
      %dma_wait3A_1522 = arith.constant 0 : i32
      %dma_wait3A_1523 = tpu.memref_slice %arg8[%dma_wait3A_1519, %dma_wait3A_1521, %dma_wait3A_1522] : memref<4x128x128xf32, #tpu.memory_space<vmem>> -> memref<1x128x64xf32, #tpu.memory_space<vmem>>
      %dma_wait3A_1524 = tpu.memref_squeeze %dma_wait3A_1523 : memref<1x128x64xf32, #tpu.memory_space<vmem>> -> memref<128x64xf32, #tpu.memory_space<vmem>>
      %dma_wait3A_1525 = arith.constant 0 : i32
      %dma_wait3A_1526 = tpu.memref_slice %arg5[%add3A_1518, %dma_wait3A_1525] : memref<425984x64xf32, #tpu.memory_space<hbm>> -> memref<128x64xf32, #tpu.memory_space<hbm>>
      %dma_wait3A_1527 = tpu.memref_slice %arg10[%dma_wait3A_1520] : memref<4x!tpu.dma_semaphore, #tpu.memory_space<semaphore_mem>> -> memref<1x!tpu.dma_semaphore, #tpu.memory_space<semaphore_mem>>
      %dma_wait3A_1528 = tpu.memref_squeeze %dma_wait3A_1527 : memref<1x!tpu.dma_semaphore, #tpu.memory_space<semaphore_mem>> -> memref<!tpu.dma_semaphore, #tpu.memory_space<semaphore_mem>>
      %dma_wait3A_1529 = arith.constant 0 : i32
      %dma_wait3A_1530 = tpu.memref_slice %arg5[%add3A_1518, %dma_wait3A_1529] : memref<425984x64xf32, #tpu.memory_space<hbm>> -> memref<128x64xf32, #tpu.memory_space<hbm>>
      %dma_wait3A_1531 = arith.constant 0 : i32
      %dma_wait3A_1532 = arith.constant 0 : i32
      %dma_wait3A_1533 = tpu.memref_slice %arg8[%dma_wait3A_1519, %dma_wait3A_1531, %dma_wait3A_1532] : memref<4x128x128xf32, #tpu.memory_space<vmem>> -> memref<1x128x64xf32, #tpu.memory_space<vmem>>
      %dma_wait3A_1534 = tpu.memref_squeeze %dma_wait3A_1533 : memref<1x128x64xf32, #tpu.memory_space<vmem>> -> memref<128x64xf32, #tpu.memory_space<vmem>>
      tpu.wait_dma2 semaphore(%dma_wait3A_1528 : memref<!tpu.dma_semaphore, #tpu.memory_space<semaphore_mem>>) src(%dma_wait3A_1534 : memref<128x64xf32, #tpu.memory_space<vmem>>) dst(%dma_wait3A_1530 : memref<128x64xf32, #tpu.memory_space<hbm>>)
      %dma_start3A_1535 = arith.constant 3 : i32
      %dma_start3A_1536 = arith.constant 3 : i32
      %dma_start3A_1537 = arith.constant 0 : i32
      %dma_start3A_1538 = arith.constant 0 : i32
      %dma_start3A_1539 = tpu.memref_slice %arg8[%dma_start3A_1535, %dma_start3A_1537, %dma_start3A_1538] : memref<4x128x128xf32, #tpu.memory_space<vmem>> -> memref<1x128x128xf32, #tpu.memory_space<vmem>>
      %dma_start3A_1540 = tpu.memref_squeeze %dma_start3A_1539 : memref<1x128x128xf32, #tpu.memory_space<vmem>> -> memref<128x128xf32, #tpu.memory_space<vmem>>
      %dma_start3A_1541 = arith.constant 0 : i32
      %dma_start3A_1542 = tpu.memref_slice %arg6[%add3A_1403, %dma_start3A_1541] : memref<104x128xi32, #tpu.memory_space<vmem>> -> memref<1x128xi32, #tpu.memory_space<vmem>>
      %dma_start3A_1543 = tpu.memref_squeeze %dma_start3A_1542 : memref<1x128xi32, #tpu.memory_space<vmem>> -> memref<128xi32, #tpu.memory_space<vmem>>
      %dma_start3A_1544 = arith.constant 0 : i32
      %dma_start3A_1545 = arith.constant 0 : i32
      %dma_start3A_1546 = tpu.memref_slice %arg4[%dma_start3A_1544, %dma_start3A_1545] : memref<2600000x128xf32, #tpu.memory_space<hbm>> -> memref<2600000x128xf32, #tpu.memory_space<hbm>>
      %dma_start3A_1547 = tpu.memref_slice %arg9[%dma_start3A_1536] : memref<4x!tpu.dma_semaphore, #tpu.memory_space<semaphore_mem>> -> memref<1x!tpu.dma_semaphore, #tpu.memory_space<semaphore_mem>>
      %dma_start3A_1548 = tpu.memref_squeeze %dma_start3A_1547 : memref<1x!tpu.dma_semaphore, #tpu.memory_space<semaphore_mem>> -> memref<!tpu.dma_semaphore, #tpu.memory_space<semaphore_mem>>
      tpu.enqueue_indirect_dma source(%dma_start3A_1546 : memref<2600000x128xf32, #tpu.memory_space<hbm>>) target(%dma_start3A_1540 : memref<128x128xf32, #tpu.memory_space<vmem>>) offsets(%dma_start3A_1543 : memref<128xi32, #tpu.memory_space<vmem>>) semaphore(%dma_start3A_1548 : memref<!tpu.dma_semaphore, #tpu.memory_space<semaphore_mem>>)
    }
    %scan3A_608 = arith.constant 25 : i32
    %dma_wait3A = arith.constant 100 : i32
    %dma_wait3A_609 = arith.constant 0 : i32
    %dma_wait3A_610 = arith.constant 0 : i32
    %dma_wait3A_611 = arith.constant 0 : i32
    %dma_wait3A_612 = arith.constant 0 : i32
    %dma_wait3A_613 = tpu.memref_slice %arg8[%dma_wait3A_609, %dma_wait3A_611, %dma_wait3A_612] : memref<4x128x128xf32, #tpu.memory_space<vmem>> -> memref<1x128x128xf32, #tpu.memory_space<vmem>>
    %dma_wait3A_614 = tpu.memref_squeeze %dma_wait3A_613 : memref<1x128x128xf32, #tpu.memory_space<vmem>> -> memref<128x128xf32, #tpu.memory_space<vmem>>
    %dma_wait3A_615 = arith.constant 0 : i32
    %dma_wait3A_616 = tpu.memref_slice %arg6[%dma_wait3A, %dma_wait3A_615] : memref<104x128xi32, #tpu.memory_space<vmem>> -> memref<1x128xi32, #tpu.memory_space<vmem>>
    %dma_wait3A_617 = tpu.memref_squeeze %dma_wait3A_616 : memref<1x128xi32, #tpu.memory_space<vmem>> -> memref<128xi32, #tpu.memory_space<vmem>>
    %dma_wait3A_618 = arith.constant 0 : i32
    %dma_wait3A_619 = arith.constant 0 : i32
    %dma_wait3A_620 = tpu.memref_slice %arg4[%dma_wait3A_618, %dma_wait3A_619] : memref<2600000x128xf32, #tpu.memory_space<hbm>> -> memref<2600000x128xf32, #tpu.memory_space<hbm>>
    %dma_wait3A_621 = tpu.memref_slice %arg9[%dma_wait3A_610] : memref<4x!tpu.dma_semaphore, #tpu.memory_space<semaphore_mem>> -> memref<1x!tpu.dma_semaphore, #tpu.memory_space<semaphore_mem>>
    %dma_wait3A_622 = tpu.memref_squeeze %dma_wait3A_621 : memref<1x!tpu.dma_semaphore, #tpu.memory_space<semaphore_mem>> -> memref<!tpu.dma_semaphore, #tpu.memory_space<semaphore_mem>>
    tpu.wait_indirect_dma semaphore(%dma_wait3A_622 : memref<!tpu.dma_semaphore, #tpu.memory_space<semaphore_mem>>) src(%dma_wait3A_620 : memref<2600000x128xf32, #tpu.memory_space<hbm>>) dst(%dma_wait3A_614 : memref<128x128xf32, #tpu.memory_space<vmem>>)
    %add3A_623 = arith.constant 12800 : i32
    %add3A_624 = arith.addi %mul3A_2, %add3A_623 : i32
    %dma_start3A_625 = arith.constant 0 : i32
    %dma_start3A_626 = arith.constant 0 : i32
    %dma_start3A_627 = arith.constant 0 : i32
    %dma_start3A_628 = arith.constant 0 : i32
    %dma_start3A_629 = tpu.memref_slice %arg8[%dma_start3A_625, %dma_start3A_627, %dma_start3A_628] : memref<4x128x128xf32, #tpu.memory_space<vmem>> -> memref<1x128x64xf32, #tpu.memory_space<vmem>>
    %dma_start3A_630 = tpu.memref_squeeze %dma_start3A_629 : memref<1x128x64xf32, #tpu.memory_space<vmem>> -> memref<128x64xf32, #tpu.memory_space<vmem>>
    %dma_start3A_631 = arith.constant 0 : i32
    %dma_start3A_632 = tpu.memref_slice %arg5[%add3A_624, %dma_start3A_631] : memref<425984x64xf32, #tpu.memory_space<hbm>> -> memref<128x64xf32, #tpu.memory_space<hbm>>
    %dma_start3A_633 = tpu.memref_slice %arg10[%dma_start3A_626] : memref<4x!tpu.dma_semaphore, #tpu.memory_space<semaphore_mem>> -> memref<1x!tpu.dma_semaphore, #tpu.memory_space<semaphore_mem>>
    %dma_start3A_634 = tpu.memref_squeeze %dma_start3A_633 : memref<1x!tpu.dma_semaphore, #tpu.memory_space<semaphore_mem>> -> memref<!tpu.dma_semaphore, #tpu.memory_space<semaphore_mem>>
    %dma_start3A_635 = arith.constant 0 : i32
    %dma_start3A_636 = tpu.memref_slice %arg5[%add3A_624, %dma_start3A_635] : memref<425984x64xf32, #tpu.memory_space<hbm>> -> memref<128x64xf32, #tpu.memory_space<hbm>>
    %dma_start3A_637 = arith.constant 0 : i32
    %dma_start3A_638 = arith.constant 0 : i32
    %dma_start3A_639 = tpu.memref_slice %arg8[%dma_start3A_625, %dma_start3A_637, %dma_start3A_638] : memref<4x128x128xf32, #tpu.memory_space<vmem>> -> memref<1x128x64xf32, #tpu.memory_space<vmem>>
    %dma_start3A_640 = tpu.memref_squeeze %dma_start3A_639 : memref<1x128x64xf32, #tpu.memory_space<vmem>> -> memref<128x64xf32, #tpu.memory_space<vmem>>
    tpu.enqueue_dma source(%dma_start3A_640 : memref<128x64xf32, #tpu.memory_space<vmem>>) target(%dma_start3A_636 : memref<128x64xf32, #tpu.memory_space<hbm>>) target_semaphore(%dma_start3A_634 : memref<!tpu.dma_semaphore, #tpu.memory_space<semaphore_mem>>)
    %dma_wait3A_641 = arith.constant 101 : i32
    %dma_wait3A_642 = arith.constant 1 : i32
    %dma_wait3A_643 = arith.constant 1 : i32
    %dma_wait3A_644 = arith.constant 0 : i32
    %dma_wait3A_645 = arith.constant 0 : i32
    %dma_wait3A_646 = tpu.memref_slice %arg8[%dma_wait3A_642, %dma_wait3A_644, %dma_wait3A_645] : memref<4x128x128xf32, #tpu.memory_space<vmem>> -> memref<1x128x128xf32, #tpu.memory_space<vmem>>
    %dma_wait3A_647 = tpu.memref_squeeze %dma_wait3A_646 : memref<1x128x128xf32, #tpu.memory_space<vmem>> -> memref<128x128xf32, #tpu.memory_space<vmem>>
    %dma_wait3A_648 = arith.constant 0 : i32
    %dma_wait3A_649 = tpu.memref_slice %arg6[%dma_wait3A_641, %dma_wait3A_648] : memref<104x128xi32, #tpu.memory_space<vmem>> -> memref<1x128xi32, #tpu.memory_space<vmem>>
    %dma_wait3A_650 = tpu.memref_squeeze %dma_wait3A_649 : memref<1x128xi32, #tpu.memory_space<vmem>> -> memref<128xi32, #tpu.memory_space<vmem>>
    %dma_wait3A_651 = arith.constant 0 : i32
    %dma_wait3A_652 = arith.constant 0 : i32
    %dma_wait3A_653 = tpu.memref_slice %arg4[%dma_wait3A_651, %dma_wait3A_652] : memref<2600000x128xf32, #tpu.memory_space<hbm>> -> memref<2600000x128xf32, #tpu.memory_space<hbm>>
    %dma_wait3A_654 = tpu.memref_slice %arg9[%dma_wait3A_643] : memref<4x!tpu.dma_semaphore, #tpu.memory_space<semaphore_mem>> -> memref<1x!tpu.dma_semaphore, #tpu.memory_space<semaphore_mem>>
    %dma_wait3A_655 = tpu.memref_squeeze %dma_wait3A_654 : memref<1x!tpu.dma_semaphore, #tpu.memory_space<semaphore_mem>> -> memref<!tpu.dma_semaphore, #tpu.memory_space<semaphore_mem>>
    tpu.wait_indirect_dma semaphore(%dma_wait3A_655 : memref<!tpu.dma_semaphore, #tpu.memory_space<semaphore_mem>>) src(%dma_wait3A_653 : memref<2600000x128xf32, #tpu.memory_space<hbm>>) dst(%dma_wait3A_647 : memref<128x128xf32, #tpu.memory_space<vmem>>)
    %add3A_656 = arith.constant 12928 : i32
    %add3A_657 = arith.addi %mul3A_2, %add3A_656 : i32
    %dma_start3A_658 = arith.constant 1 : i32
    %dma_start3A_659 = arith.constant 1 : i32
    %dma_start3A_660 = arith.constant 0 : i32
    %dma_start3A_661 = arith.constant 0 : i32
    %dma_start3A_662 = tpu.memref_slice %arg8[%dma_start3A_658, %dma_start3A_660, %dma_start3A_661] : memref<4x128x128xf32, #tpu.memory_space<vmem>> -> memref<1x128x64xf32, #tpu.memory_space<vmem>>
    %dma_start3A_663 = tpu.memref_squeeze %dma_start3A_662 : memref<1x128x64xf32, #tpu.memory_space<vmem>> -> memref<128x64xf32, #tpu.memory_space<vmem>>
    %dma_start3A_664 = arith.constant 0 : i32
    %dma_start3A_665 = tpu.memref_slice %arg5[%add3A_657, %dma_start3A_664] : memref<425984x64xf32, #tpu.memory_space<hbm>> -> memref<128x64xf32, #tpu.memory_space<hbm>>
    %dma_start3A_666 = tpu.memref_slice %arg10[%dma_start3A_659] : memref<4x!tpu.dma_semaphore, #tpu.memory_space<semaphore_mem>> -> memref<1x!tpu.dma_semaphore, #tpu.memory_space<semaphore_mem>>
    %dma_start3A_667 = tpu.memref_squeeze %dma_start3A_666 : memref<1x!tpu.dma_semaphore, #tpu.memory_space<semaphore_mem>> -> memref<!tpu.dma_semaphore, #tpu.memory_space<semaphore_mem>>
    %dma_start3A_668 = arith.constant 0 : i32
    %dma_start3A_669 = tpu.memref_slice %arg5[%add3A_657, %dma_start3A_668] : memref<425984x64xf32, #tpu.memory_space<hbm>> -> memref<128x64xf32, #tpu.memory_space<hbm>>
    %dma_start3A_670 = arith.constant 0 : i32
    %dma_start3A_671 = arith.constant 0 : i32
    %dma_start3A_672 = tpu.memref_slice %arg8[%dma_start3A_658, %dma_start3A_670, %dma_start3A_671] : memref<4x128x128xf32, #tpu.memory_space<vmem>> -> memref<1x128x64xf32, #tpu.memory_space<vmem>>
    %dma_start3A_673 = tpu.memref_squeeze %dma_start3A_672 : memref<1x128x64xf32, #tpu.memory_space<vmem>> -> memref<128x64xf32, #tpu.memory_space<vmem>>
    tpu.enqueue_dma source(%dma_start3A_673 : memref<128x64xf32, #tpu.memory_space<vmem>>) target(%dma_start3A_669 : memref<128x64xf32, #tpu.memory_space<hbm>>) target_semaphore(%dma_start3A_667 : memref<!tpu.dma_semaphore, #tpu.memory_space<semaphore_mem>>)
    %dma_wait3A_674 = arith.constant 102 : i32
    %dma_wait3A_675 = arith.constant 2 : i32
    %dma_wait3A_676 = arith.constant 2 : i32
    %dma_wait3A_677 = arith.constant 0 : i32
    %dma_wait3A_678 = arith.constant 0 : i32
    %dma_wait3A_679 = tpu.memref_slice %arg8[%dma_wait3A_675, %dma_wait3A_677, %dma_wait3A_678] : memref<4x128x128xf32, #tpu.memory_space<vmem>> -> memref<1x128x128xf32, #tpu.memory_space<vmem>>
    %dma_wait3A_680 = tpu.memref_squeeze %dma_wait3A_679 : memref<1x128x128xf32, #tpu.memory_space<vmem>> -> memref<128x128xf32, #tpu.memory_space<vmem>>
    %dma_wait3A_681 = arith.constant 0 : i32
    %dma_wait3A_682 = tpu.memref_slice %arg6[%dma_wait3A_674, %dma_wait3A_681] : memref<104x128xi32, #tpu.memory_space<vmem>> -> memref<1x128xi32, #tpu.memory_space<vmem>>
    %dma_wait3A_683 = tpu.memref_squeeze %dma_wait3A_682 : memref<1x128xi32, #tpu.memory_space<vmem>> -> memref<128xi32, #tpu.memory_space<vmem>>
    %dma_wait3A_684 = arith.constant 0 : i32
    %dma_wait3A_685 = arith.constant 0 : i32
    %dma_wait3A_686 = tpu.memref_slice %arg4[%dma_wait3A_684, %dma_wait3A_685] : memref<2600000x128xf32, #tpu.memory_space<hbm>> -> memref<2600000x128xf32, #tpu.memory_space<hbm>>
    %dma_wait3A_687 = tpu.memref_slice %arg9[%dma_wait3A_676] : memref<4x!tpu.dma_semaphore, #tpu.memory_space<semaphore_mem>> -> memref<1x!tpu.dma_semaphore, #tpu.memory_space<semaphore_mem>>
    %dma_wait3A_688 = tpu.memref_squeeze %dma_wait3A_687 : memref<1x!tpu.dma_semaphore, #tpu.memory_space<semaphore_mem>> -> memref<!tpu.dma_semaphore, #tpu.memory_space<semaphore_mem>>
    tpu.wait_indirect_dma semaphore(%dma_wait3A_688 : memref<!tpu.dma_semaphore, #tpu.memory_space<semaphore_mem>>) src(%dma_wait3A_686 : memref<2600000x128xf32, #tpu.memory_space<hbm>>) dst(%dma_wait3A_680 : memref<128x128xf32, #tpu.memory_space<vmem>>)
    %add3A_689 = arith.constant 13056 : i32
    %add3A_690 = arith.addi %mul3A_2, %add3A_689 : i32
    %dma_start3A_691 = arith.constant 2 : i32
    %dma_start3A_692 = arith.constant 2 : i32
    %dma_start3A_693 = arith.constant 0 : i32
    %dma_start3A_694 = arith.constant 0 : i32
    %dma_start3A_695 = tpu.memref_slice %arg8[%dma_start3A_691, %dma_start3A_693, %dma_start3A_694] : memref<4x128x128xf32, #tpu.memory_space<vmem>> -> memref<1x128x64xf32, #tpu.memory_space<vmem>>
    %dma_start3A_696 = tpu.memref_squeeze %dma_start3A_695 : memref<1x128x64xf32, #tpu.memory_space<vmem>> -> memref<128x64xf32, #tpu.memory_space<vmem>>
    %dma_start3A_697 = arith.constant 0 : i32
    %dma_start3A_698 = tpu.memref_slice %arg5[%add3A_690, %dma_start3A_697] : memref<425984x64xf32, #tpu.memory_space<hbm>> -> memref<128x64xf32, #tpu.memory_space<hbm>>
    %dma_start3A_699 = tpu.memref_slice %arg10[%dma_start3A_692] : memref<4x!tpu.dma_semaphore, #tpu.memory_space<semaphore_mem>> -> memref<1x!tpu.dma_semaphore, #tpu.memory_space<semaphore_mem>>
    %dma_start3A_700 = tpu.memref_squeeze %dma_start3A_699 : memref<1x!tpu.dma_semaphore, #tpu.memory_space<semaphore_mem>> -> memref<!tpu.dma_semaphore, #tpu.memory_space<semaphore_mem>>
    %dma_start3A_701 = arith.constant 0 : i32
    %dma_start3A_702 = tpu.memref_slice %arg5[%add3A_690, %dma_start3A_701] : memref<425984x64xf32, #tpu.memory_space<hbm>> -> memref<128x64xf32, #tpu.memory_space<hbm>>
    %dma_start3A_703 = arith.constant 0 : i32
    %dma_start3A_704 = arith.constant 0 : i32
    %dma_start3A_705 = tpu.memref_slice %arg8[%dma_start3A_691, %dma_start3A_703, %dma_start3A_704] : memref<4x128x128xf32, #tpu.memory_space<vmem>> -> memref<1x128x64xf32, #tpu.memory_space<vmem>>
    %dma_start3A_706 = tpu.memref_squeeze %dma_start3A_705 : memref<1x128x64xf32, #tpu.memory_space<vmem>> -> memref<128x64xf32, #tpu.memory_space<vmem>>
    tpu.enqueue_dma source(%dma_start3A_706 : memref<128x64xf32, #tpu.memory_space<vmem>>) target(%dma_start3A_702 : memref<128x64xf32, #tpu.memory_space<hbm>>) target_semaphore(%dma_start3A_700 : memref<!tpu.dma_semaphore, #tpu.memory_space<semaphore_mem>>)
    %dma_wait3A_707 = arith.constant 103 : i32
    %dma_wait3A_708 = arith.constant 3 : i32
    %dma_wait3A_709 = arith.constant 3 : i32
    %dma_wait3A_710 = arith.constant 0 : i32
    %dma_wait3A_711 = arith.constant 0 : i32
    %dma_wait3A_712 = tpu.memref_slice %arg8[%dma_wait3A_708, %dma_wait3A_710, %dma_wait3A_711] : memref<4x128x128xf32, #tpu.memory_space<vmem>> -> memref<1x128x128xf32, #tpu.memory_space<vmem>>
    %dma_wait3A_713 = tpu.memref_squeeze %dma_wait3A_712 : memref<1x128x128xf32, #tpu.memory_space<vmem>> -> memref<128x128xf32, #tpu.memory_space<vmem>>
    %dma_wait3A_714 = arith.constant 0 : i32
    %dma_wait3A_715 = tpu.memref_slice %arg6[%dma_wait3A_707, %dma_wait3A_714] : memref<104x128xi32, #tpu.memory_space<vmem>> -> memref<1x128xi32, #tpu.memory_space<vmem>>
    %dma_wait3A_716 = tpu.memref_squeeze %dma_wait3A_715 : memref<1x128xi32, #tpu.memory_space<vmem>> -> memref<128xi32, #tpu.memory_space<vmem>>
    %dma_wait3A_717 = arith.constant 0 : i32
    %dma_wait3A_718 = arith.constant 0 : i32
    %dma_wait3A_719 = tpu.memref_slice %arg4[%dma_wait3A_717, %dma_wait3A_718] : memref<2600000x128xf32, #tpu.memory_space<hbm>> -> memref<2600000x128xf32, #tpu.memory_space<hbm>>
    %dma_wait3A_720 = tpu.memref_slice %arg9[%dma_wait3A_709] : memref<4x!tpu.dma_semaphore, #tpu.memory_space<semaphore_mem>> -> memref<1x!tpu.dma_semaphore, #tpu.memory_space<semaphore_mem>>
    %dma_wait3A_721 = tpu.memref_squeeze %dma_wait3A_720 : memref<1x!tpu.dma_semaphore, #tpu.memory_space<semaphore_mem>> -> memref<!tpu.dma_semaphore, #tpu.memory_space<semaphore_mem>>
    tpu.wait_indirect_dma semaphore(%dma_wait3A_721 : memref<!tpu.dma_semaphore, #tpu.memory_space<semaphore_mem>>) src(%dma_wait3A_719 : memref<2600000x128xf32, #tpu.memory_space<hbm>>) dst(%dma_wait3A_713 : memref<128x128xf32, #tpu.memory_space<vmem>>)
    %add3A_722 = arith.constant 13184 : i32
    %add3A_723 = arith.addi %mul3A_2, %add3A_722 : i32
    %dma_start3A_724 = arith.constant 3 : i32
    %dma_start3A_725 = arith.constant 3 : i32
    %dma_start3A_726 = arith.constant 0 : i32
    %dma_start3A_727 = arith.constant 0 : i32
    %dma_start3A_728 = tpu.memref_slice %arg8[%dma_start3A_724, %dma_start3A_726, %dma_start3A_727] : memref<4x128x128xf32, #tpu.memory_space<vmem>> -> memref<1x128x64xf32, #tpu.memory_space<vmem>>
    %dma_start3A_729 = tpu.memref_squeeze %dma_start3A_728 : memref<1x128x64xf32, #tpu.memory_space<vmem>> -> memref<128x64xf32, #tpu.memory_space<vmem>>
    %dma_start3A_730 = arith.constant 0 : i32
    %dma_start3A_731 = tpu.memref_slice %arg5[%add3A_723, %dma_start3A_730] : memref<425984x64xf32, #tpu.memory_space<hbm>> -> memref<128x64xf32, #tpu.memory_space<hbm>>
    %dma_start3A_732 = tpu.memref_slice %arg10[%dma_start3A_725] : memref<4x!tpu.dma_semaphore, #tpu.memory_space<semaphore_mem>> -> memref<1x!tpu.dma_semaphore, #tpu.memory_space<semaphore_mem>>
    %dma_start3A_733 = tpu.memref_squeeze %dma_start3A_732 : memref<1x!tpu.dma_semaphore, #tpu.memory_space<semaphore_mem>> -> memref<!tpu.dma_semaphore, #tpu.memory_space<semaphore_mem>>
    %dma_start3A_734 = arith.constant 0 : i32
    %dma_start3A_735 = tpu.memref_slice %arg5[%add3A_723, %dma_start3A_734] : memref<425984x64xf32, #tpu.memory_space<hbm>> -> memref<128x64xf32, #tpu.memory_space<hbm>>
    %dma_start3A_736 = arith.constant 0 : i32
    %dma_start3A_737 = arith.constant 0 : i32
    %dma_start3A_738 = tpu.memref_slice %arg8[%dma_start3A_724, %dma_start3A_736, %dma_start3A_737] : memref<4x128x128xf32, #tpu.memory_space<vmem>> -> memref<1x128x64xf32, #tpu.memory_space<vmem>>
    %dma_start3A_739 = tpu.memref_squeeze %dma_start3A_738 : memref<1x128x64xf32, #tpu.memory_space<vmem>> -> memref<128x64xf32, #tpu.memory_space<vmem>>
    tpu.enqueue_dma source(%dma_start3A_739 : memref<128x64xf32, #tpu.memory_space<vmem>>) target(%dma_start3A_735 : memref<128x64xf32, #tpu.memory_space<hbm>>) target_semaphore(%dma_start3A_733 : memref<!tpu.dma_semaphore, #tpu.memory_space<semaphore_mem>>)
    %add3A_740 = arith.constant 12800 : i32
    %add3A_741 = arith.addi %mul3A_2, %add3A_740 : i32
    %dma_wait3A_742 = arith.constant 0 : i32
    %dma_wait3A_743 = arith.constant 0 : i32
    %dma_wait3A_744 = arith.constant 0 : i32
    %dma_wait3A_745 = arith.constant 0 : i32
    %dma_wait3A_746 = tpu.memref_slice %arg8[%dma_wait3A_742, %dma_wait3A_744, %dma_wait3A_745] : memref<4x128x128xf32, #tpu.memory_space<vmem>> -> memref<1x128x64xf32, #tpu.memory_space<vmem>>
    %dma_wait3A_747 = tpu.memref_squeeze %dma_wait3A_746 : memref<1x128x64xf32, #tpu.memory_space<vmem>> -> memref<128x64xf32, #tpu.memory_space<vmem>>
    %dma_wait3A_748 = arith.constant 0 : i32
    %dma_wait3A_749 = tpu.memref_slice %arg5[%add3A_741, %dma_wait3A_748] : memref<425984x64xf32, #tpu.memory_space<hbm>> -> memref<128x64xf32, #tpu.memory_space<hbm>>
    %dma_wait3A_750 = tpu.memref_slice %arg10[%dma_wait3A_743] : memref<4x!tpu.dma_semaphore, #tpu.memory_space<semaphore_mem>> -> memref<1x!tpu.dma_semaphore, #tpu.memory_space<semaphore_mem>>
    %dma_wait3A_751 = tpu.memref_squeeze %dma_wait3A_750 : memref<1x!tpu.dma_semaphore, #tpu.memory_space<semaphore_mem>> -> memref<!tpu.dma_semaphore, #tpu.memory_space<semaphore_mem>>
    %dma_wait3A_752 = arith.constant 0 : i32
    %dma_wait3A_753 = tpu.memref_slice %arg5[%add3A_741, %dma_wait3A_752] : memref<425984x64xf32, #tpu.memory_space<hbm>> -> memref<128x64xf32, #tpu.memory_space<hbm>>
    %dma_wait3A_754 = arith.constant 0 : i32
    %dma_wait3A_755 = arith.constant 0 : i32
    %dma_wait3A_756 = tpu.memref_slice %arg8[%dma_wait3A_742, %dma_wait3A_754, %dma_wait3A_755] : memref<4x128x128xf32, #tpu.memory_space<vmem>> -> memref<1x128x64xf32, #tpu.memory_space<vmem>>
    %dma_wait3A_757 = tpu.memref_squeeze %dma_wait3A_756 : memref<1x128x64xf32, #tpu.memory_space<vmem>> -> memref<128x64xf32, #tpu.memory_space<vmem>>
    tpu.wait_dma2 semaphore(%dma_wait3A_751 : memref<!tpu.dma_semaphore, #tpu.memory_space<semaphore_mem>>) src(%dma_wait3A_757 : memref<128x64xf32, #tpu.memory_space<vmem>>) dst(%dma_wait3A_753 : memref<128x64xf32, #tpu.memory_space<hbm>>)
    %add3A_758 = arith.constant 12928 : i32
    %add3A_759 = arith.addi %mul3A_2, %add3A_758 : i32
    %dma_wait3A_760 = arith.constant 1 : i32
    %dma_wait3A_761 = arith.constant 1 : i32
    %dma_wait3A_762 = arith.constant 0 : i32
    %dma_wait3A_763 = arith.constant 0 : i32
    %dma_wait3A_764 = tpu.memref_slice %arg8[%dma_wait3A_760, %dma_wait3A_762, %dma_wait3A_763] : memref<4x128x128xf32, #tpu.memory_space<vmem>> -> memref<1x128x64xf32, #tpu.memory_space<vmem>>
    %dma_wait3A_765 = tpu.memref_squeeze %dma_wait3A_764 : memref<1x128x64xf32, #tpu.memory_space<vmem>> -> memref<128x64xf32, #tpu.memory_space<vmem>>
    %dma_wait3A_766 = arith.constant 0 : i32
    %dma_wait3A_767 = tpu.memref_slice %arg5[%add3A_759, %dma_wait3A_766] : memref<425984x64xf32, #tpu.memory_space<hbm>> -> memref<128x64xf32, #tpu.memory_space<hbm>>
    %dma_wait3A_768 = tpu.memref_slice %arg10[%dma_wait3A_761] : memref<4x!tpu.dma_semaphore, #tpu.memory_space<semaphore_mem>> -> memref<1x!tpu.dma_semaphore, #tpu.memory_space<semaphore_mem>>
    %dma_wait3A_769 = tpu.memref_squeeze %dma_wait3A_768 : memref<1x!tpu.dma_semaphore, #tpu.memory_space<semaphore_mem>> -> memref<!tpu.dma_semaphore, #tpu.memory_space<semaphore_mem>>
    %dma_wait3A_770 = arith.constant 0 : i32
    %dma_wait3A_771 = tpu.memref_slice %arg5[%add3A_759, %dma_wait3A_770] : memref<425984x64xf32, #tpu.memory_space<hbm>> -> memref<128x64xf32, #tpu.memory_space<hbm>>
    %dma_wait3A_772 = arith.constant 0 : i32
    %dma_wait3A_773 = arith.constant 0 : i32
    %dma_wait3A_774 = tpu.memref_slice %arg8[%dma_wait3A_760, %dma_wait3A_772, %dma_wait3A_773] : memref<4x128x128xf32, #tpu.memory_space<vmem>> -> memref<1x128x64xf32, #tpu.memory_space<vmem>>
    %dma_wait3A_775 = tpu.memref_squeeze %dma_wait3A_774 : memref<1x128x64xf32, #tpu.memory_space<vmem>> -> memref<128x64xf32, #tpu.memory_space<vmem>>
    tpu.wait_dma2 semaphore(%dma_wait3A_769 : memref<!tpu.dma_semaphore, #tpu.memory_space<semaphore_mem>>) src(%dma_wait3A_775 : memref<128x64xf32, #tpu.memory_space<vmem>>) dst(%dma_wait3A_771 : memref<128x64xf32, #tpu.memory_space<hbm>>)
    %add3A_776 = arith.constant 13056 : i32
    %add3A_777 = arith.addi %mul3A_2, %add3A_776 : i32
    %dma_wait3A_778 = arith.constant 2 : i32
    %dma_wait3A_779 = arith.constant 2 : i32
    %dma_wait3A_780 = arith.constant 0 : i32
    %dma_wait3A_781 = arith.constant 0 : i32
    %dma_wait3A_782 = tpu.memref_slice %arg8[%dma_wait3A_778, %dma_wait3A_780, %dma_wait3A_781] : memref<4x128x128xf32, #tpu.memory_space<vmem>> -> memref<1x128x64xf32, #tpu.memory_space<vmem>>
    %dma_wait3A_783 = tpu.memref_squeeze %dma_wait3A_782 : memref<1x128x64xf32, #tpu.memory_space<vmem>> -> memref<128x64xf32, #tpu.memory_space<vmem>>
    %dma_wait3A_784 = arith.constant 0 : i32
    %dma_wait3A_785 = tpu.memref_slice %arg5[%add3A_777, %dma_wait3A_784] : memref<425984x64xf32, #tpu.memory_space<hbm>> -> memref<128x64xf32, #tpu.memory_space<hbm>>
    %dma_wait3A_786 = tpu.memref_slice %arg10[%dma_wait3A_779] : memref<4x!tpu.dma_semaphore, #tpu.memory_space<semaphore_mem>> -> memref<1x!tpu.dma_semaphore, #tpu.memory_space<semaphore_mem>>
    %dma_wait3A_787 = tpu.memref_squeeze %dma_wait3A_786 : memref<1x!tpu.dma_semaphore, #tpu.memory_space<semaphore_mem>> -> memref<!tpu.dma_semaphore, #tpu.memory_space<semaphore_mem>>
    %dma_wait3A_788 = arith.constant 0 : i32
    %dma_wait3A_789 = tpu.memref_slice %arg5[%add3A_777, %dma_wait3A_788] : memref<425984x64xf32, #tpu.memory_space<hbm>> -> memref<128x64xf32, #tpu.memory_space<hbm>>
    %dma_wait3A_790 = arith.constant 0 : i32
    %dma_wait3A_791 = arith.constant 0 : i32
    %dma_wait3A_792 = tpu.memref_slice %arg8[%dma_wait3A_778, %dma_wait3A_790, %dma_wait3A_791] : memref<4x128x128xf32, #tpu.memory_space<vmem>> -> memref<1x128x64xf32, #tpu.memory_space<vmem>>
    %dma_wait3A_793 = tpu.memref_squeeze %dma_wait3A_792 : memref<1x128x64xf32, #tpu.memory_space<vmem>> -> memref<128x64xf32, #tpu.memory_space<vmem>>
    tpu.wait_dma2 semaphore(%dma_wait3A_787 : memref<!tpu.dma_semaphore, #tpu.memory_space<semaphore_mem>>) src(%dma_wait3A_793 : memref<128x64xf32, #tpu.memory_space<vmem>>) dst(%dma_wait3A_789 : memref<128x64xf32, #tpu.memory_space<hbm>>)
    %add3A_794 = arith.constant 13184 : i32
    %add3A_795 = arith.addi %mul3A_2, %add3A_794 : i32
    %dma_wait3A_796 = arith.constant 3 : i32
    %dma_wait3A_797 = arith.constant 3 : i32
    %dma_wait3A_798 = arith.constant 0 : i32
    %dma_wait3A_799 = arith.constant 0 : i32
    %dma_wait3A_800 = tpu.memref_slice %arg8[%dma_wait3A_796, %dma_wait3A_798, %dma_wait3A_799] : memref<4x128x128xf32, #tpu.memory_space<vmem>> -> memref<1x128x64xf32, #tpu.memory_space<vmem>>
    %dma_wait3A_801 = tpu.memref_squeeze %dma_wait3A_800 : memref<1x128x64xf32, #tpu.memory_space<vmem>> -> memref<128x64xf32, #tpu.memory_space<vmem>>
    %dma_wait3A_802 = arith.constant 0 : i32
    %dma_wait3A_803 = tpu.memref_slice %arg5[%add3A_795, %dma_wait3A_802] : memref<425984x64xf32, #tpu.memory_space<hbm>> -> memref<128x64xf32, #tpu.memory_space<hbm>>
    %dma_wait3A_804 = tpu.memref_slice %arg10[%dma_wait3A_797] : memref<4x!tpu.dma_semaphore, #tpu.memory_space<semaphore_mem>> -> memref<1x!tpu.dma_semaphore, #tpu.memory_space<semaphore_mem>>
    %dma_wait3A_805 = tpu.memref_squeeze %dma_wait3A_804 : memref<1x!tpu.dma_semaphore, #tpu.memory_space<semaphore_mem>> -> memref<!tpu.dma_semaphore, #tpu.memory_space<semaphore_mem>>
    %dma_wait3A_806 = arith.constant 0 : i32
    %dma_wait3A_807 = tpu.memref_slice %arg5[%add3A_795, %dma_wait3A_806] : memref<425984x64xf32, #tpu.memory_space<hbm>> -> memref<128x64xf32, #tpu.memory_space<hbm>>
    %dma_wait3A_808 = arith.constant 0 : i32
    %dma_wait3A_809 = arith.constant 0 : i32
    %dma_wait3A_810 = tpu.memref_slice %arg8[%dma_wait3A_796, %dma_wait3A_808, %dma_wait3A_809] : memref<4x128x128xf32, #tpu.memory_space<vmem>> -> memref<1x128x64xf32, #tpu.memory_space<vmem>>
    %dma_wait3A_811 = tpu.memref_squeeze %dma_wait3A_810 : memref<1x128x64xf32, #tpu.memory_space<vmem>> -> memref<128x64xf32, #tpu.memory_space<vmem>>
    tpu.wait_dma2 semaphore(%dma_wait3A_805 : memref<!tpu.dma_semaphore, #tpu.memory_space<semaphore_mem>>) src(%dma_wait3A_811 : memref<128x64xf32, #tpu.memory_space<vmem>>) dst(%dma_wait3A_807 : memref<128x64xf32, #tpu.memory_space<hbm>>)
    return
  }
}

</mosaic_0001>

<sc_bundles>
// kernel: _run.3.cloned.1.call-start
scs
__scs_entry_jumppad:
0x0: {  	(pc) =	sbr.rel $0x88, $3  }
0x1: {  	(tag) =	ssettag $0x0;
	lr =	simm.s32 $0x1  }
0x2: {  	[smem:$0x3F9E] =	sst lr;
	_ =	strace $0xD0000000  }
0x3: {  	_ = 	snop  }
0x4: {  	_ = 	snop  }
0x5: {  	_ = 	snop  }
0x6: {  	_ = 	snop  }
0x7: {  	_ = 	snop  }
__scs_overlays_trampoline_lowered:
0x8: {  	[smem:$0x3FAD] =	sst s0  }
0x9: {  	[smem:$0x3FAE] =	sst s1  }
0xa: {  	[smem:$0x3FAF] =	sst s2  }
0xb: {  	[smem:$0x3FB0] =	sst s3  }
0xc: {  	[smem:$0x3FB1] =	sst s4  }
0xd: {  	[smem:$0x3FB2] =	sst s5  }
0xe: {  	[smem:$0x3FB3] =	sst s6  }
0xf: {  	[smem:$0x3FB4] =	sst s7  }
0x10: {  	[smem:$0x3FB5] =	sst s8  }
0x11: {  	[smem:$0x3FB6] =	sst s9;
	s0 =	simm.s32 @!p0 $0x0  }
0x12: {  	s1 =	sld [smem:$0x3F9C];
	s0 =	simm.s32 @p0 $0x1  }
0x13: {  	[smem:$0x3FB7] =	sst s0;
	s0 =	simm.s32 @!p1 $0x0  }
0x14: {  	s2 =	sld [smem:$0x3F9B];
	s0 =	simm.s32 @p1 $0x1  }
0x15: {  	[smem:$0x3FB8] =	sst s0;
	s0 =	simm.s32 @!p2 $0x0  }
0x16: {  	s3 =	sld [smem:$0x3FDB];
	s0 =	simm.s32 @p2 $0x1  }
0x17: {  	s4 =	simm.s32 $0x1BF5;
	[smem:$0x3FBA] =	sst s0  }
0x18: {  	s0 =	sld [smem:$0x3F9D];
	_ =	swait.ge [sflag:s4], $0x0  }
0x19: {  	s7 =	sld [smem:$0x3F9E]  }
0x1a: {  	s8 =	sadd.s32 $0xFFFFE003, lr  }
0x1b: {  	s9 =	sadd.s32 $0xFFFFFEF7, lr;
	s5 =	simm.s32 $0xFFFFFFFF;
	p2 =	slt.u32 s8, $0xFFFFF086  }
0x1c: {  	p1 =	slt.u32 s9, $0xF7A;
	s5 =	simm.s32 @!p2 $0x0  }
0x1d: {  	s5 =	simm.s32 @p1 $0x1;
	p0 =	seq.s32 s7, s2  }
0x1e: {  	s7 =	smul.u32 @!p0 $0xF7A, s2;
	p2 =	seq.s32 @!p0 s5, $0x0  }
0x1f: {  	s9 =	smul.u32 $0xF7A, s1;
	s8 =	simm.s32 @!p0 $0x1BF5;
	p2 =	por !p2, p0  }
0x20: {  	[sflag:s8] =	ssyncset.s32 @!p0 $0xFFFFF086;
	s6 =	sadd.s32 @!p0 s3, s7;
	s7 =	simm.s32 @!p0 $0x108  }
0x21: {  	s3 =	sadd.s32 s3, s9;
	s6 =	sadd.s32 @!p0 $0x88, s6;
	s7 =	simm.s32 @p2 $0x1082  }
0x22: {  	[simem:s7], [sflag:s8] =	dma.local @!p0 [hbm:s6], $0xF7A  }
0x23: {  	s9 =	sor.u32 $0xD0000000, s2;
	s6 =	simm.s32 $0x108;
	_ =	swait.ge @!p0 [sflag:s8], $0x0  }
0x24: {  	s3 =	sadd.s32 $0x88, s3;
	s6 =	simm.s32 @!p1 $0x1082;
	[sflag:s4] =	ssyncset.s32 $0xFFFFF086  }
0x25: {  	[simem:s6], [sflag:s4] =	dma.local [hbm:s3], $0xF7A  }
0x26: {  	[smem:$0x3F9E] =	sst s1;
	(tag) =	ssettag s2;
	_ =	strace s9  }
0x27: {  	s1 =	sld [smem:$0x3FAE]  }
0x28: {  	s2 =	sld [smem:$0x3FAF]  }
0x29: {  	s4 =	sld [smem:$0x3FB1]  }
0x2a: {  	p0 =	seq.s32 s5, $0x0;
	s5 =	sld [smem:$0x3FB2]  }
0x2b: {  	s6 =	sld [smem:$0x3FB3]  }
0x2c: {  	s7 =	sld [smem:$0x3FB4]  }
0x2d: {  	s3 =	simm.s32 $0x108;
	s8 =	sld [smem:$0x3FB5]  }
0x2e: {  	s3 =	simm.s32 @!p0 $0x1082;
	s9 =	sld [smem:$0x3FB6]  }
0x2f: {  	lr =	sadd.s32 s0, s3;
	s0 =	sld [smem:$0x3FAD]  }
0x30: {  	s3 =	sld [smem:$0x3FB0]  }
0x31: {  	[smem:$0x3FB9] =	sst s10  }
0x32: {  	s10 =	sld [smem:$0x3FB7];
	_ =	sdelay $0x3  }
0x33: {  	p0 =	seq.s32 s10, $0x1;
	s10 =	sld [smem:$0x3FB9];
	_ =	sdelay $0x3  }
0x34: {  	[smem:$0x3FB9] =	sst s10  }
0x35: {  	s10 =	sld [smem:$0x3FB8];
	_ =	sdelay $0x3  }
0x36: {  	p1 =	seq.s32 s10, $0x1;
	s10 =	sld [smem:$0x3FB9];
	_ =	sdelay $0x3  }
0x37: {  	[smem:$0x3FB9] =	sst s10  }
0x38: {  	s10 =	sld [smem:$0x3FBA]  }
0x39: {  	_ = 	snop;
	(pc) =	sbr.ind lr, $3  }
0x3a: {  	_ = 	snop  }
0x3b: {  	_ = 	snop  }
0x3c: {  	p2 =	seq.s32 s10, $0x1;
	s10 =	sld [smem:$0x3FB9]  }
0x3d: {  	_ =	shalt  }
0x3e: {  	_ =	shalt  }
0x3f: {  	_ =	shalt  }
0x40: {  	_ =	shalt  }
0x41: {  	_ =	shalt  }
0x42: {  	_ =	shalt  }
0x43: {  	_ =	shalt  }
0x44: {  	_ =	shalt  }
0x45: {  	_ =	shalt  }
0x46: {  	_ =	shalt  }
0x47: {  	_ =	shalt  }
0x48: {  	_ =	shalt  }
0x49: {  	_ =	shalt  }
0x4a: {  	_ =	shalt  }
0x4b: {  	_ =	shalt  }
0x4c: {  	_ =	shalt  }
0x4d: {  	_ =	shalt  }
0x4e: {  	_ =	shalt  }
0x4f: {  	_ =	shalt  }
0x50: {  	_ =	shalt  }
0x51: {  	_ =	shalt  }
0x52: {  	_ =	shalt  }
0x53: {  	_ =	shalt  }
0x54: {  	_ =	shalt  }
0x55: {  	_ =	shalt  }
0x56: {  	_ =	shalt  }
0x57: {  	_ =	shalt  }
0x58: {  	_ =	shalt  }
0x59: {  	_ =	shalt  }
0x5a: {  	_ =	shalt  }
0x5b: {  	_ =	shalt  }
0x5c: {  	_ =	shalt  }
0x5d: {  	_ =	shalt  }
0x5e: {  	_ =	shalt  }
0x5f: {  	_ =	shalt  }
0x60: {  	_ =	shalt  }
0x61: {  	_ =	shalt  }
0x62: {  	_ =	shalt  }
0x63: {  	_ =	shalt  }
0x64: {  	_ =	shalt  }
0x65: {  	_ =	shalt  }
0x66: {  	_ =	shalt  }
0x67: {  	_ =	shalt  }
0x68: {  	_ =	shalt  }
0x69: {  	_ =	shalt  }
0x6a: {  	_ =	shalt  }
0x6b: {  	_ =	shalt  }
0x6c: {  	_ =	shalt  }
0x6d: {  	_ =	shalt  }
0x6e: {  	_ =	shalt  }
0x6f: {  	_ =	shalt  }
0x70: {  	_ =	shalt  }
0x71: {  	_ =	shalt  }
0x72: {  	_ =	shalt  }
0x73: {  	_ =	shalt  }
0x74: {  	_ =	shalt  }
0x75: {  	_ =	shalt  }
0x76: {  	_ =	shalt  }
0x77: {  	_ =	shalt  }
0x78: {  	_ =	shalt  }
0x79: {  	_ =	shalt  }
0x7a: {  	_ =	shalt  }
0x7b: {  	_ =	shalt  }
0x7c: {  	_ =	shalt  }
0x7d: {  	_ =	shalt  }
0x7e: {  	_ =	shalt  }
0x7f: {  	_ =	shalt  }
0x80: {  	_ =	shalt  }
0x81: {  	_ =	shalt  }
0x82: {  	_ =	shalt  }
0x83: {  	_ =	shalt  }
0x84: {  	_ =	shalt  }
0x85: {  	_ =	shalt  }
0x86: {  	_ =	shalt  }
0x87: {  	_ =	shalt  }
.Lfunc_end0:
.L_simem_size_0:
called_computation.1_lowered:
.L_overlay_start_0:
0x88: {  	s2 =	sld [smem:$0x3FD9]  }
0x89: {  	s3 =	sld [smem:$0x3FFE];
	_ =	sdelay $0x1  }
0x8a: {  	s1 =	srdreg.scid  }
0x8b: {  	s0 =	sand.u32 $0x1, s1  }
0x8c: {  	s18 =	sshll.u32 s0, $0xA;
	s2 =	sadd.s32 s3, s2  }
0x8d: {  	s2 =	sadd.s32 s2, s18  }
0x8e: {  	[smem:$0x3FC5] =	sst s2  }
0x8f: {  	_ = 	snop  }
0x90: {  	s2 =	sld [smem:$0x3FC9]  }
0x91: {  	s19 =	sld [smem:$0x3FC8]  }
0x92: {  	s4 =	sld [smem:$0x3FC7]  }
0x93: {  	s5 =	sld [smem:$0x3FD0];
	(tm) =	ssettm $0x1  }
0x94: {  	s6 =	sld [smem:$0x3FFB];
	_ =	sdelay $0x3  }
0x95: {  	_ =	strace s6  }
0x96: {  	s6 =	sld [smem:$0x3FFC];
	_ =	sdelay $0x3  }
0x97: {  	_ =	strace s6  }
0x98: {  	s6 =	sld [smem:$0x3FFD];
	_ =	sdelay $0x3  }
0x99: {  	_ =	strace s6  }
0x9a: {  	_ =	strace $0x8FFFFFFF  }
0x9b: {  	s20 =	sld [smem:$0x3FDB];
	_ =	sdelay $0x1  }
0x9c: {  	s7 =	simm.s32 $_scs_section_size  }
0x9d: {  	s8 =	simm.s32 $_size__tile_overlayer_lowered;
	s9 =	simm.s32 $_tile_overlayer_lowered  }
0x9e: {  	s23 =	simm.s32 $0x1BFF;
	s22 =	sshll.u32 s9, $0x1;
	s6 =	sadd.s32 s7, s20  }
0x9f: {  	s10 =	simm.s32 $0x0;
	s21 =	sshll.u32 s8, $0x1;
	s8 =	sadd.s32 s22, s6  }
0xa0: {  	[timem:s10], [sflag:s23] =	dma.local [hbm:s8], s21  }
0xa1: {  	_ =	swait.ge [sflag:s23], s21  }
0xa2: {  	s7 =	ssub.s32 $0x0, s21;
	[sflag:s23] =	ssyncset.done $0x0  }
0xa3: {  	[sflag:s23] =	ssyncadd.s32 s7;
	_ =	sdelay $0x1  }
0xa4: {  	s24 =	simm.s32 $0x1B8B  }
0xa5: {  	_ =	swait.ge [sflag:s24], $0x1  }
0xa6: {  	[sflag:s24] =	ssyncset.done $0x0  }
0xa7: {  	s25 =	simm.s32 $0x1B8E;
	[sflag:s24] =	ssyncadd.s32 $0xFFFFFFFF  }
0xa8: {  	s26 =	simm.s32 $execute0_lowered;
	[smem:$0x3FD2] =	sst s25  }
0xa9: {  	s7 =	sshll.u32 s26, $0x1;
	_ =	strace $0x80000046;
	[dreg:$0x1] =	wrdreg $0xFFFFFFFF  }
0xaa: {  	s28 =	simm.s32 $_size_execute0_lowered;
	s6 =	sadd.s32 s6, s7;
	[dreg:$0x0] =	wrdreg $0x0  }
0xab: {  	s7 =	sshll.u32 s28, $0x1;
	[dreg:$0x2] =	wrdreg s6  }
0xac: {  	[dreg:$0x3] =	wrdreg s7  }
0xad: {  	[dreg:$0x4] =	wrdreg $0xC0  }
0xae: {  	_ =	task [dreg:s10], $0x5FFFF  }
0xaf: {  	[dreg:$0x1] =	wrdreg $0xFFFFFFFF  }
0xb0: {  	[dreg:$0x0] =	wrdreg $0x60  }
0xb1: {  	[dreg:$0x2] =	wrdreg s2  }
0xb2: {  	[dreg:$0x3] =	wrdreg s19  }
0xb3: {  	[dreg:$0x4] =	wrdreg s4  }
0xb4: {  	[dreg:$0x5] =	wrdreg s5  }
0xb5: {  	[dreg:$0x6] =	wrdreg $0x9  }
0xb6: {  	_ =	task.clear_ibuf [dreg:s10], $0x7FFFF;
	_ =	strace $0x90000046  }
0xb7: {  	s29 =	simm.s32 $0x9;
	_ =	strace $0x80000048  }
0xb8: {  	_ =	swait.ge [sflag:s29], $0x1  }
0xb9: {  	[sflag:s29] =	ssyncadd.s32 $0xFFFFFFFF  }
0xba: {  	_ =	strace $0x90000048  }
0xbb: {  	_ =	sfence  }
0xbc: {  	s30 =	sld [smem:$0x0];
	_ =	sdelay $0x2  }
0xbd: {  	s31 =	sshll.u32 s1, $0xD;
	s1 =	sshrl.u32 s1, $0x2  }
0xbe: {  	s3 =	sand.u32 $0x4000, s31;
	s1 =	sadd.s32 s1, s30  }
0xbf: {  	s0 =	sor.u32 s3, s0;
	s1 =	sshll.u32 s1, $0x11  }
0xc0: {  	s0 =	sor.u32 s1, s0  }
0xc1: {  	s0 =	sadd.s32 $0x8F2B, s0  }
0xc2: {  	[sflag:s0] =	ssyncadd.remote.s32 $0x1  }
0xc3: {  	_ =	sfence.sel $0xFFFF  }
0xc4: {  	[dreg:$0x0] =	wrdreg $0xFFFFFFFF;
	(pc) =	sbr.abs _section_cstart, $3  }
0xc5: {  	[dreg:$0x1] =	wrdreg $0xFFFFFFFF  }
0xc6: {  	_ =	task.clear_ibuf [dreg:s10], $0x2FFFF;
	_ =	strace $0x9FFFFFFF  }
0xc7: {  	(tm) =	ssettm $0x7FFFFFFF  }
tec
execute0_lowered:
.L_overlay_start_1:
0x0: {  	(tag) =	ssettag $0x1  }
0x1: {  	s0 =	rddreg [dreg:$0x0]  }
0x2: {  	s1 =	srdreg.scid;
	s3 =	rddreg [dreg:$0x2]  }
0x3: {  	s2 =	stileid.u32;
	s4 =	rddreg [dreg:$0x3]  }
0x4: {  	s5 =	simm.s32 $0x0;
	s18 =	simm.s32 $0x80;
	s19 =	simm.s32 $0x6800  }
0x5: {  	s20 =	simm.s32 $0xA800;
	s22 =	simm.s32 $0xE800;
	s28 =	simm.s32 $0x2  }
0x6: {  	s29 =	simm.s32 $0x6;
	s1 =	sand.u32 $0x1, s1;
	s2 =	sshll.u32 s2, $0x1  }
0x7: {  	s30 =	simm.s32 $0x3;
	s31 =	simm.s32 $0x7;
	s2 =	sor.u32 s1, s2  }
0x8: {  	[smem:$0x7FF] =	sst s5;
	s1 =	ssub.s32 $0x2, s1;
	s7 =	smul.u32 $0x3400, s2  }
0x9: {  	_ =	strace $0x80000047;
	s6 =	smul.u32 $0xD0000, s2;
	s24 =	sshrl.u32 s1, $0x1  }
0xa: {  	s2 =	simm.s32 $0x4;
	s1 =	ssub.s32 s1, s24;
	s24 =	simm.s32 $0x12800  }
0xb: {  	s8 =	sshrl.u32 s7, $0x3;
	s25 =	sshrl.u32 s6, $0x3;
	s9 =	sor.u32 $0x100, s7  }
0xc: {  	s10 =	sor.u32 $0x180, s7;
	s26 =	smax.u32 s1, $0x1;
	s0 =	sadd.s32 s0, s8  }
0xd: {  	s8 =	sor.u32 $0x80, s7;
	[dreg:$0x6] =	wrdreg s26;
	s26 =	simm.s32 $0x5  }
0xe: {  	s7 =	simm.s32 $0x0;
	[dreg:$0x5] =	wrdreg s0;
	s0 =	sadd.s32 s4, s25  }
0xf: {  	s25 =	simm.s32 $0x1;
	s11 =	sadd.s32 $0x19000, s0;
	s12 =	sadd.s32 $0x19400, s0  }
0x10: {  	s13 =	sadd.s32 $0x19800, s0;
	s14 =	sadd.s32 $0x19C00, s0;
	s0 =	simm.s32 $0x8  }
.LBB2_1:
0x11: {  	[dreg:$0x7] =	wrdreg s7  }
0x12: {  	s1 =	rddreg [dreg:$0x5];
	s16 =	simm.s32 $0x9  }
0x13: {  	[tilespmem:s5], [sflag:$0x9] =	stream.linear.gather [hbm4b:s1+s5], $0x3400, $0x38;
	[tilespmem:$0x16800] =	vst v63  }
0x14: {  	_ =	swait.ge [sflag:s16], $0x3400  }
0x15: {  	[sflag:s16] =	ssyncset.done $0x0  }
0x16: {  	[sflag:s16] =	ssyncadd.s32 $0xFFFFCC00  }
0x17: {  	s15 =	simm.s32 $0x3400;
	s17 =	rddreg [dreg:$0x1]  }
0x18: {  	[tilespmem:s15], [sflag:$0x9] =	stream.linear.gather [hbm4b:s17+s5], $0x3400, $0x38;
	[tilespmem:$0x16800] =	vst v63  }
0x19: {  	_ =	swait.ge [sflag:s16], $0x3400  }
0x1a: {  	[sflag:s16] =	ssyncset.done $0x0  }
0x1b: {  	[sflag:s16] =	ssyncadd.s32 $0xFFFFCC00  }
0x1c: {  	v0 =	vld [tilespmem:$0x0]  }
0x1d: {  	v1 =	vld [tilespmem:$0x3400]  }
0x1e: {  	v2 =	vld [tilespmem:$0x10]  }
0x1f: {  	v3 =	vld [tilespmem:$0x3410]  }
0x20: {  	v4 =	vld [tilespmem:$0x20]  }
0x21: {  	v5 =	vld [tilespmem:$0x3420]  }
0x22: {  	v6 =	vld [tilespmem:$0x30]  }
0x23: {  	v7 =	vld [tilespmem:$0x3430]  }
0x24: {  	v8 =	vld [tilespmem:$0x40]  }
0x25: {  	v9 =	vld [tilespmem:$0x3440]  }
0x26: {  	v10 =	vld [tilespmem:$0x50]  }
0x27: {  	v11 =	vld [tilespmem:$0x3450]  }
0x28: {  	v12 =	vld [tilespmem:$0x60]  }
0x29: {  	v36 =	vld [tilespmem:$0x3460];
	v0 =	vadd.s32 v0, v1  }
0x2a: {  	v38 =	vld [tilespmem:$0x70];
	v37 =	vadd.s32 v2, v3;
	[tilespmem:$0x0] =	vst v0  }
0x2b: {  	v40 =	vld [tilespmem:$0x3470];
	v39 =	vadd.s32 v4, v5;
	[tilespmem:$0x10] =	vst v37  }
0x2c: {  	v41 =	vadd.s32 v6, v7;
	[tilespmem:$0x20] =	vst v39  }
0x2d: {  	v42 =	vadd.s32 v8, v9;
	[tilespmem:$0x30] =	vst v41  }
0x2e: {  	v43 =	vadd.s32 v10, v11;
	[tilespmem:$0x40] =	vst v42  }
0x2f: {  	v44 =	vadd.s32 v12, v36;
	[tilespmem:$0x50] =	vst v43  }
0x30: {  	v45 =	vadd.s32 v38, v40;
	[tilespmem:$0x60] =	vst v44  }
0x31: {  	[tilespmem:$0x70] =	vst v45  }
0x32: {  	[tilespmem:s19], [sflag:$0x1] =	stream.indirect.gather [hbm4b:s3+s18], $0x80, s5, s18, $0xb8;
	[tilespmem:$0x16800] =	vst v63  }
0x33: {  	v46 =	vld [tilespmem:$0x80]  }
0x34: {  	v47 =	vld [tilespmem:$0x3480]  }
0x35: {  	v48 =	vld [tilespmem:$0x90]  }
0x36: {  	v49 =	vld [tilespmem:$0x3490]  }
0x37: {  	v50 =	vld [tilespmem:$0xA0]  }
0x38: {  	v51 =	vld [tilespmem:$0x34A0]  }
0x39: {  	v52 =	vld [tilespmem:$0xB0]  }
0x3a: {  	v53 =	vld [tilespmem:$0x34B0]  }
0x3b: {  	v54 =	vld [tilespmem:$0xC0]  }
0x3c: {  	v55 =	vld [tilespmem:$0x34C0]  }
0x3d: {  	v56 =	vld [tilespmem:$0xD0]  }
0x3e: {  	v57 =	vld [tilespmem:$0x34D0]  }
0x3f: {  	v58 =	vld [tilespmem:$0xE0]  }
0x40: {  	v59 =	vld [tilespmem:$0x34E0];
	v0 =	vadd.s32 v46, v47  }
0x41: {  	v61 =	vld [tilespmem:$0xF0];
	v60 =	vadd.s32 v48, v49;
	[tilespmem:$0x80] =	vst v0  }
0x42: {  	v63 =	vld [tilespmem:$0x34F0];
	v62 =	vadd.s32 v50, v51;
	[tilespmem:$0x90] =	vst v60  }
0x43: {  	v13 =	vadd.s32 v52, v53;
	[tilespmem:$0xA0] =	vst v62  }
0x44: {  	v14 =	vadd.s32 v54, v55;
	[tilespmem:$0xB0] =	vst v13  }
0x45: {  	v15 =	vadd.s32 v56, v57;
	[tilespmem:$0xC0] =	vst v14  }
0x46: {  	v16 =	vadd.s32 v58, v59;
	[tilespmem:$0xD0] =	vst v15  }
0x47: {  	v17 =	vadd.s32 v61, v63;
	[tilespmem:$0xE0] =	vst v16  }
0x48: {  	[tilespmem:$0xF0] =	vst v17  }
0x49: {  	[tilespmem:s20], [sflag:$0x2] =	stream.indirect.gather [hbm4b:s3+s18], $0x80, s18, s18, $0xb8;
	[tilespmem:$0x16800] =	vst v63  }
0x4a: {  	v18 =	vld [tilespmem:$0x100]  }
0x4b: {  	v19 =	vld [tilespmem:$0x3500]  }
0x4c: {  	v20 =	vld [tilespmem:$0x110]  }
0x4d: {  	v21 =	vld [tilespmem:$0x3510]  }
0x4e: {  	v22 =	vld [tilespmem:$0x120]  }
0x4f: {  	v23 =	vld [tilespmem:$0x3520]  }
0x50: {  	v24 =	vld [tilespmem:$0x130]  }
0x51: {  	v25 =	vld [tilespmem:$0x3530]  }
0x52: {  	v26 =	vld [tilespmem:$0x140]  }
0x53: {  	v27 =	vld [tilespmem:$0x3540]  }
0x54: {  	v28 =	vld [tilespmem:$0x150]  }
0x55: {  	v29 =	vld [tilespmem:$0x3550]  }
0x56: {  	v30 =	vld [tilespmem:$0x160]  }
0x57: {  	v31 =	vld [tilespmem:$0x3560];
	v0 =	vadd.s32 v18, v19  }
0x58: {  	v33 =	vld [tilespmem:$0x170];
	v32 =	vadd.s32 v20, v21;
	[tilespmem:$0x100] =	vst v0  }
0x59: {  	v35 =	vld [tilespmem:$0x3570];
	v34 =	vadd.s32 v22, v23;
	[tilespmem:$0x110] =	vst v32  }
0x5a: {  	v36 =	vadd.s32 v24, v25;
	[tilespmem:$0x120] =	vst v34  }
0x5b: {  	v37 =	vadd.s32 v26, v27;
	[tilespmem:$0x130] =	vst v36  }
0x5c: {  	v38 =	vadd.s32 v28, v29;
	[tilespmem:$0x140] =	vst v37  }
0x5d: {  	v39 =	vadd.s32 v30, v31;
	[tilespmem:$0x150] =	vst v38  }
0x5e: {  	v40 =	vadd.s32 v33, v35;
	[tilespmem:$0x160] =	vst v39  }
0x5f: {  	s21 =	simm.s32 $0x100;
	[tilespmem:$0x170] =	vst v40  }
0x60: {  	[tilespmem:s22], [sflag:$0x3] =	stream.indirect.gather [hbm4b:s3+s18], $0x80, s21, s18, $0xb8;
	[tilespmem:$0x16800] =	vst v63  }
0x61: {  	v41 =	vld [tilespmem:$0x180]  }
0x62: {  	v42 =	vld [tilespmem:$0x3580]  }
0x63: {  	v43 =	vld [tilespmem:$0x190]  }
0x64: {  	v44 =	vld [tilespmem:$0x3590]  }
0x65: {  	v45 =	vld [tilespmem:$0x1A0]  }
0x66: {  	v46 =	vld [tilespmem:$0x35A0]  }
0x67: {  	v47 =	vld [tilespmem:$0x1B0]  }
0x68: {  	v48 =	vld [tilespmem:$0x35B0]  }
0x69: {  	v49 =	vld [tilespmem:$0x1C0]  }
0x6a: {  	v50 =	vld [tilespmem:$0x35C0]  }
0x6b: {  	v51 =	vld [tilespmem:$0x1D0]  }
0x6c: {  	v52 =	vld [tilespmem:$0x35D0]  }
0x6d: {  	v53 =	vld [tilespmem:$0x1E0]  }
0x6e: {  	v54 =	vld [tilespmem:$0x35E0];
	v0 =	vadd.s32 v41, v42  }
0x6f: {  	v56 =	vld [tilespmem:$0x1F0];
	v55 =	vadd.s32 v43, v44;
	[tilespmem:$0x180] =	vst v0  }
0x70: {  	v58 =	vld [tilespmem:$0x35F0];
	v57 =	vadd.s32 v45, v46;
	[tilespmem:$0x190] =	vst v55  }
0x71: {  	v59 =	vadd.s32 v47, v48;
	[tilespmem:$0x1A0] =	vst v57  }
0x72: {  	v60 =	vadd.s32 v49, v50;
	[tilespmem:$0x1B0] =	vst v59  }
0x73: {  	v61 =	vadd.s32 v51, v52;
	[tilespmem:$0x1C0] =	vst v60  }
0x74: {  	v62 =	vadd.s32 v53, v54;
	[tilespmem:$0x1D0] =	vst v61  }
0x75: {  	v63 =	vadd.s32 v56, v58;
	[tilespmem:$0x1E0] =	vst v62  }
0x76: {  	s23 =	simm.s32 $0x180;
	s17 =	simm.s32 $0x0;
	[tilespmem:$0x1F0] =	vst v63  }
0x77: {  	[tilespmem:s24], [sflag:$0x4] =	stream.indirect.gather [hbm4b:s3+s18], $0x80, s23, s18, $0xb8;
	[tilespmem:$0x16800] =	vst v63  }
.LBB2_2:
0x78: {  	s1 =	sshll.u32 s17, $0xF  }
0x79: {  	s1 =	sadd.s32 s6, s1  }
0x7a: {  	_ =	swait.ge [sflag:s25], $0x4000;
	s23 =	simm.s32 $0x6800;
	s1 =	sshrl.u32 s1, $0x3  }
0x7b: {  	s7 =	simm.s32 $0x8;
	[sflag:s25] =	ssyncset.done $0x0;
	s21 =	sadd.s32 s4, s1  }
0x7c: {  	s15 =	simm.s32 $0x6880;
	[sflag:s25] =	ssyncadd.s32 $0xFFFFC000;
	s16 =	sadd.s32 $0x0, s21  }
.LBB2_3:
0x7d: {  	[hbm4b:s16+s5] =	stream.linear.scatter [tilespmem:s23], [sflag:$0x5], $0x40, $0x38;
	[tilespmem:$0x16800] =	vst v63  }
0x7e: {  	s1 =	smov.u32 s7;
	s23 =	smov.u32 s15;
	p0 =	sne.s32 s7, $0x3F8  }
.Ltmp0:
0x7f: {  	s7 =	sadd.s32 $0x8, s7;
	(pc) =	sbr.rel @p0 .LBB2_3-.Ltmp0, $2  }
0x80: {  	_ =	sdelay $0x2  }
0x81: {  	s15 =	sadd.s32 $0x80, s15;
	s16 =	sadd.s32 s1, s21  }
0x82: {  	[hbm4b:s16+s5] =	stream.linear.scatter [tilespmem:s23], [sflag:$0x5], $0x40, $0x38;
	[tilespmem:$0x16800] =	vst v63  }
0x83: {  	s21 =	sshll.u32 s17, $0x9  }
0x84: {  	v0 =	vld [tilespmem:s21+$0x200]  }
0x85: {  	v1 =	vld [tilespmem:s21+$0x3600]  }
0x86: {  	v2 =	vld [tilespmem:s21+$0x210]  }
0x87: {  	v3 =	vld [tilespmem:s21+$0x3610]  }
0x88: {  	v4 =	vld [tilespmem:s21+$0x220]  }
0x89: {  	v5 =	vld [tilespmem:s21+$0x3620]  }
0x8a: {  	v6 =	vld [tilespmem:s21+$0x230]  }
0x8b: {  	v7 =	vld [tilespmem:s21+$0x3630]  }
0x8c: {  	v8 =	vld [tilespmem:s21+$0x240]  }
0x8d: {  	v9 =	vld [tilespmem:s21+$0x3640]  }
0x8e: {  	v10 =	vld [tilespmem:s21+$0x250]  }
0x8f: {  	v11 =	vld [tilespmem:s21+$0x3650]  }
0x90: {  	v12 =	vld [tilespmem:s21+$0x260]  }
0x91: {  	v54 =	vld [tilespmem:s21+$0x3660];
	v0 =	vadd.s32 v0, v1  }
0x92: {  	v56 =	vld [tilespmem:s21+$0x270];
	v55 =	vadd.s32 v2, v3;
	[tilespmem:s21+$0x200] =	vst v0  }
0x93: {  	v58 =	vld [tilespmem:s21+$0x3670];
	v57 =	vadd.s32 v4, v5;
	[tilespmem:s21+$0x210] =	vst v55  }
0x94: {  	v59 =	vadd.s32 v6, v7;
	[tilespmem:s21+$0x220] =	vst v57  }
0x95: {  	v60 =	vadd.s32 v8, v9;
	[tilespmem:s21+$0x230] =	vst v59  }
0x96: {  	v61 =	vadd.s32 v10, v11;
	[tilespmem:s21+$0x240] =	vst v60  }
0x97: {  	v62 =	vadd.s32 v12, v54;
	[tilespmem:s21+$0x250] =	vst v61  }
0x98: {  	v63 =	vadd.s32 v56, v58;
	[tilespmem:s21+$0x260] =	vst v62  }
0x99: {  	[tilespmem:s21+$0x270] =	vst v63  }
0x9a: {  	_ =	swait.ge [sflag:s26], $0x2000  }
0x9b: {  	[sflag:s26] =	ssyncset.done $0x0  }
0x9c: {  	s1 =	sadd.s32 $0x200, s21;
	s23 =	sadd.s32 s21, s8;
	[sflag:s26] =	ssyncadd.s32 $0xFFFFE000  }
0x9d: {  	[tilespmem:s19], [sflag:$0x1] =	stream.indirect.gather [hbm4b:s3+s18], $0x80, s1, s18, $0xb8;
	[tilespmem:$0x16800] =	vst v63  }
0x9e: {  	s1 =	sshll.u32 s23, $0x3  }
0x9f: {  	s7 =	simm.s32 $0xA800;
	_ =	swait.ge [sflag:s28], $0x4000;
	s1 =	sand.u32 $0x1FFFF400, s1  }
0xa0: {  	s15 =	simm.s32 $0x8;
	[sflag:s28] =	ssyncset.done $0x0;
	s23 =	sadd.s32 s4, s1  }
0xa1: {  	s16 =	simm.s32 $0xA880;
	[sflag:s28] =	ssyncadd.s32 $0xFFFFC000;
	s1 =	sadd.s32 $0x0, s23  }
.LBB2_5:
0xa2: {  	[hbm4b:s1+s5] =	stream.linear.scatter [tilespmem:s7], [sflag:$0x6], $0x40, $0x38;
	[tilespmem:$0x16800] =	vst v63  }
0xa3: {  	s1 =	smov.u32 s15;
	s7 =	smov.u32 s16;
	p0 =	sne.s32 s15, $0x3F8  }
.Ltmp1:
0xa4: {  	s15 =	sadd.s32 $0x8, s15;
	(pc) =	sbr.rel @p0 .LBB2_5-.Ltmp1, $2  }
0xa5: {  	_ =	sdelay $0x2  }
0xa6: {  	s16 =	sadd.s32 $0x80, s16;
	s1 =	sadd.s32 s1, s23  }
0xa7: {  	[hbm4b:s1+s5] =	stream.linear.scatter [tilespmem:s7], [sflag:$0x6], $0x40, $0x38;
	[tilespmem:$0x16800] =	vst v63  }
0xa8: {  	v0 =	vld [tilespmem:s21+$0x280]  }
0xa9: {  	v1 =	vld [tilespmem:s21+$0x3680]  }
0xaa: {  	v2 =	vld [tilespmem:s21+$0x290]  }
0xab: {  	v3 =	vld [tilespmem:s21+$0x3690]  }
0xac: {  	v4 =	vld [tilespmem:s21+$0x2A0]  }
0xad: {  	v5 =	vld [tilespmem:s21+$0x36A0]  }
0xae: {  	v6 =	vld [tilespmem:s21+$0x2B0]  }
0xaf: {  	v7 =	vld [tilespmem:s21+$0x36B0]  }
0xb0: {  	v8 =	vld [tilespmem:s21+$0x2C0]  }
0xb1: {  	v9 =	vld [tilespmem:s21+$0x36C0]  }
0xb2: {  	v10 =	vld [tilespmem:s21+$0x2D0]  }
0xb3: {  	v11 =	vld [tilespmem:s21+$0x36D0]  }
0xb4: {  	v12 =	vld [tilespmem:s21+$0x2E0]  }
0xb5: {  	v54 =	vld [tilespmem:s21+$0x36E0];
	v0 =	vadd.s32 v0, v1  }
0xb6: {  	v56 =	vld [tilespmem:s21+$0x2F0];
	v55 =	vadd.s32 v2, v3;
	[tilespmem:s21+$0x280] =	vst v0  }
0xb7: {  	v58 =	vld [tilespmem:s21+$0x36F0];
	v57 =	vadd.s32 v4, v5;
	[tilespmem:s21+$0x290] =	vst v55  }
0xb8: {  	v59 =	vadd.s32 v6, v7;
	[tilespmem:s21+$0x2A0] =	vst v57  }
0xb9: {  	v60 =	vadd.s32 v8, v9;
	[tilespmem:s21+$0x2B0] =	vst v59  }
0xba: {  	v61 =	vadd.s32 v10, v11;
	[tilespmem:s21+$0x2C0] =	vst v60  }
0xbb: {  	v62 =	vadd.s32 v12, v54;
	[tilespmem:s21+$0x2D0] =	vst v61  }
0xbc: {  	v63 =	vadd.s32 v56, v58;
	[tilespmem:s21+$0x2E0] =	vst v62  }
0xbd: {  	[tilespmem:s21+$0x2F0] =	vst v63  }
0xbe: {  	_ =	swait.ge [sflag:s29], $0x2000  }
0xbf: {  	s23 =	sadd.s32 s21, s9;
	[sflag:s29] =	ssyncset.done $0x0  }
0xc0: {  	s16 =	sadd.s32 $0x280, s21;
	s1 =	sshll.u32 s23, $0x3;
	[sflag:s29] =	ssyncadd.s32 $0xFFFFE000  }
0xc1: {  	[tilespmem:s20], [sflag:$0x2] =	stream.indirect.gather [hbm4b:s3+s18], $0x80, s16, s18, $0xb8;
	[tilespmem:$0x16800] =	vst v63  }
0xc2: {  	s7 =	simm.s32 $0xE800;
	s1 =	sand.u32 $0x1FFFF800, s1;
	_ =	swait.ge [sflag:s30], $0x4000  }
0xc3: {  	s15 =	simm.s32 $0x8;
	s23 =	sadd.s32 s4, s1;
	[sflag:s30] =	ssyncset.done $0x0  }
0xc4: {  	s1 =	sadd.s32 $0x0, s23;
	s16 =	simm.s32 $0xE880;
	[sflag:s30] =	ssyncadd.s32 $0xFFFFC000  }
.LBB2_7:
0xc5: {  	[hbm4b:s1+s5] =	stream.linear.scatter [tilespmem:s7], [sflag:$0x7], $0x40, $0x38;
	[tilespmem:$0x16800] =	vst v63  }
0xc6: {  	s1 =	smov.u32 s15;
	s7 =	smov.u32 s16;
	p0 =	sne.s32 s15, $0x3F8  }
.Ltmp2:
0xc7: {  	s15 =	sadd.s32 $0x8, s15;
	(pc) =	sbr.rel @p0 .LBB2_7-.Ltmp2, $2  }
0xc8: {  	_ =	sdelay $0x2  }
0xc9: {  	s16 =	sadd.s32 $0x80, s16;
	s1 =	sadd.s32 s1, s23  }
0xca: {  	[hbm4b:s1+s5] =	stream.linear.scatter [tilespmem:s7], [sflag:$0x7], $0x40, $0x38;
	[tilespmem:$0x16800] =	vst v63  }
0xcb: {  	v0 =	vld [tilespmem:s21+$0x300]  }
0xcc: {  	v1 =	vld [tilespmem:s21+$0x3700]  }
0xcd: {  	v2 =	vld [tilespmem:s21+$0x310]  }
0xce: {  	v3 =	vld [tilespmem:s21+$0x3710]  }
0xcf: {  	v4 =	vld [tilespmem:s21+$0x320]  }
0xd0: {  	v5 =	vld [tilespmem:s21+$0x3720]  }
0xd1: {  	v6 =	vld [tilespmem:s21+$0x330]  }
0xd2: {  	v7 =	vld [tilespmem:s21+$0x3730]  }
0xd3: {  	v8 =	vld [tilespmem:s21+$0x340]  }
0xd4: {  	v9 =	vld [tilespmem:s21+$0x3740]  }
0xd5: {  	v10 =	vld [tilespmem:s21+$0x350]  }
0xd6: {  	v11 =	vld [tilespmem:s21+$0x3750]  }
0xd7: {  	v12 =	vld [tilespmem:s21+$0x360]  }
0xd8: {  	v54 =	vld [tilespmem:s21+$0x3760];
	v0 =	vadd.s32 v0, v1  }
0xd9: {  	v56 =	vld [tilespmem:s21+$0x370];
	v55 =	vadd.s32 v2, v3;
	[tilespmem:s21+$0x300] =	vst v0  }
0xda: {  	v58 =	vld [tilespmem:s21+$0x3770];
	v57 =	vadd.s32 v4, v5;
	[tilespmem:s21+$0x310] =	vst v55  }
0xdb: {  	v59 =	vadd.s32 v6, v7;
	[tilespmem:s21+$0x320] =	vst v57  }
0xdc: {  	v60 =	vadd.s32 v8, v9;
	[tilespmem:s21+$0x330] =	vst v59  }
0xdd: {  	v61 =	vadd.s32 v10, v11;
	[tilespmem:s21+$0x340] =	vst v60  }
0xde: {  	v62 =	vadd.s32 v12, v54;
	[tilespmem:s21+$0x350] =	vst v61  }
0xdf: {  	v63 =	vadd.s32 v56, v58;
	[tilespmem:s21+$0x360] =	vst v62  }
0xe0: {  	[tilespmem:s21+$0x370] =	vst v63  }
0xe1: {  	_ =	swait.ge [sflag:s31], $0x2000  }
0xe2: {  	s23 =	sadd.s32 s21, s10;
	[sflag:s31] =	ssyncset.done $0x0  }
0xe3: {  	s16 =	sadd.s32 $0x300, s21;
	s1 =	sshll.u32 s23, $0x3;
	[sflag:s31] =	ssyncadd.s32 $0xFFFFE000  }
0xe4: {  	[tilespmem:s22], [sflag:$0x3] =	stream.indirect.gather [hbm4b:s3+s18], $0x80, s16, s18, $0xb8;
	[tilespmem:$0x16800] =	vst v63  }
0xe5: {  	s7 =	simm.s32 $0x12800;
	s1 =	sand.u32 $0x1FFFFC00, s1;
	_ =	swait.ge [sflag:s2], $0x4000  }
0xe6: {  	s15 =	simm.s32 $0x8;
	s23 =	sadd.s32 s4, s1;
	[sflag:s2] =	ssyncset.done $0x0  }
0xe7: {  	s1 =	sadd.s32 $0x0, s23;
	s16 =	simm.s32 $0x12880;
	[sflag:s2] =	ssyncadd.s32 $0xFFFFC000  }
.LBB2_9:
0xe8: {  	[hbm4b:s1+s5] =	stream.linear.scatter [tilespmem:s7], [sflag:$0x8], $0x40, $0x38;
	[tilespmem:$0x16800] =	vst v63  }
0xe9: {  	s1 =	smov.u32 s15;
	s7 =	smov.u32 s16;
	p0 =	sne.s32 s15, $0x3F8  }
.Ltmp3:
0xea: {  	s15 =	sadd.s32 $0x8, s15;
	(pc) =	sbr.rel @p0 .LBB2_9-.Ltmp3, $2  }
0xeb: {  	_ =	sdelay $0x2  }
0xec: {  	s16 =	sadd.s32 $0x80, s16;
	s1 =	sadd.s32 s1, s23  }
0xed: {  	[hbm4b:s1+s5] =	stream.linear.scatter [tilespmem:s7], [sflag:$0x8], $0x40, $0x38;
	[tilespmem:$0x16800] =	vst v63  }
0xee: {  	v0 =	vld [tilespmem:s21+$0x380]  }
0xef: {  	v1 =	vld [tilespmem:s21+$0x3780]  }
0xf0: {  	v2 =	vld [tilespmem:s21+$0x390]  }
0xf1: {  	v3 =	vld [tilespmem:s21+$0x3790]  }
0xf2: {  	v4 =	vld [tilespmem:s21+$0x3A0]  }
0xf3: {  	v5 =	vld [tilespmem:s21+$0x37A0]  }
0xf4: {  	v6 =	vld [tilespmem:s21+$0x3B0]  }
0xf5: {  	v7 =	vld [tilespmem:s21+$0x37B0]  }
0xf6: {  	v8 =	vld [tilespmem:s21+$0x3C0]  }
0xf7: {  	v9 =	vld [tilespmem:s21+$0x37C0]  }
0xf8: {  	v10 =	vld [tilespmem:s21+$0x3D0]  }
0xf9: {  	v11 =	vld [tilespmem:s21+$0x37D0]  }
0xfa: {  	v12 =	vld [tilespmem:s21+$0x3E0]  }
0xfb: {  	v54 =	vld [tilespmem:s21+$0x37E0];
	v0 =	vadd.s32 v0, v1  }
0xfc: {  	v56 =	vld [tilespmem:s21+$0x3F0];
	v55 =	vadd.s32 v2, v3;
	[tilespmem:s21+$0x380] =	vst v0  }
0xfd: {  	v58 =	vld [tilespmem:s21+$0x37F0];
	v57 =	vadd.s32 v4, v5;
	[tilespmem:s21+$0x390] =	vst v55  }
0xfe: {  	v59 =	vadd.s32 v6, v7;
	[tilespmem:s21+$0x3A0] =	vst v57  }
0xff: {  	v60 =	vadd.s32 v8, v9;
	[tilespmem:s21+$0x3B0] =	vst v59  }
0x100: {  	v61 =	vadd.s32 v10, v11;
	[tilespmem:s21+$0x3C0] =	vst v60  }
0x101: {  	s17 =	sadd.s32 $0x1, s17;
	v62 =	vadd.s32 v12, v54;
	[tilespmem:s21+$0x3D0] =	vst v61  }
0x102: {  	p0 =	sne.s32 s17, $0x19;
	v63 =	vadd.s32 v56, v58;
	[tilespmem:s21+$0x3E0] =	vst v62  }
.Ltmp4:
0x103: {  	[tilespmem:s21+$0x3F0] =	vst v63;
	(pc) =	sbr.rel @p0 .LBB2_2-.Ltmp4, $4  }
0x104: {  	_ =	swait.ge [sflag:s0], $0x2000  }
0x105: {  	[sflag:s0] =	ssyncset.done $0x0  }
0x106: {  	s23 =	sadd.s32 $0x380, s21;
	[sflag:s0] =	ssyncadd.s32 $0xFFFFE000  }
0x107: {  	[tilespmem:s24], [sflag:$0x4] =	stream.indirect.gather [hbm4b:s3+s18], $0x80, s23, s18, $0xb8;
	[tilespmem:$0x16800] =	vst v63  }
0x108: {  	_ =	swait.ge [sflag:s25], $0x4000  }
0x109: {  	s7 =	simm.s32 $0x6800;
	s15 =	simm.s32 $0x8;
	[sflag:s25] =	ssyncset.done $0x0  }
0x10a: {  	s1 =	sadd.s32 $0x0, s11;
	s16 =	simm.s32 $0x6880;
	[sflag:s25] =	ssyncadd.s32 $0xFFFFC000  }
.LBB2_12:
0x10b: {  	[hbm4b:s1+s5] =	stream.linear.scatter [tilespmem:s7], [sflag:$0x5], $0x40, $0x38;
	[tilespmem:$0x16800] =	vst v63  }
0x10c: {  	s1 =	smov.u32 s15;
	s7 =	smov.u32 s16;
	p0 =	sne.s32 s15, $0x3F8  }
.Ltmp5:
0x10d: {  	s15 =	sadd.s32 $0x8, s15;
	(pc) =	sbr.rel @p0 .LBB2_12-.Ltmp5, $2  }
0x10e: {  	_ =	sdelay $0x2  }
0x10f: {  	s16 =	sadd.s32 $0x80, s16;
	s1 =	sadd.s32 s1, s11  }
0x110: {  	[hbm4b:s1+s5] =	stream.linear.scatter [tilespmem:s7], [sflag:$0x5], $0x40, $0x38;
	[tilespmem:$0x16800] =	vst v63  }
0x111: {  	_ =	swait.ge [sflag:s28], $0x4000  }
0x112: {  	s7 =	simm.s32 $0xA800;
	s15 =	simm.s32 $0x8;
	[sflag:s28] =	ssyncset.done $0x0  }
0x113: {  	s1 =	sadd.s32 $0x0, s12;
	s16 =	simm.s32 $0xA880;
	[sflag:s28] =	ssyncadd.s32 $0xFFFFC000  }
.LBB2_14:
0x114: {  	[hbm4b:s1+s5] =	stream.linear.scatter [tilespmem:s7], [sflag:$0x6], $0x40, $0x38;
	[tilespmem:$0x16800] =	vst v63  }
0x115: {  	s1 =	smov.u32 s15;
	s7 =	smov.u32 s16;
	p0 =	sne.s32 s15, $0x3F8  }
.Ltmp6:
0x116: {  	s15 =	sadd.s32 $0x8, s15;
	(pc) =	sbr.rel @p0 .LBB2_14-.Ltmp6, $2  }
0x117: {  	_ =	sdelay $0x2  }
0x118: {  	s16 =	sadd.s32 $0x80, s16;
	s1 =	sadd.s32 s1, s12  }
0x119: {  	[hbm4b:s1+s5] =	stream.linear.scatter [tilespmem:s7], [sflag:$0x6], $0x40, $0x38;
	[tilespmem:$0x16800] =	vst v63  }
0x11a: {  	_ =	swait.ge [sflag:s30], $0x4000  }
0x11b: {  	s7 =	simm.s32 $0xE800;
	s15 =	simm.s32 $0x8;
	[sflag:s30] =	ssyncset.done $0x0  }
0x11c: {  	s1 =	sadd.s32 $0x0, s13;
	s16 =	simm.s32 $0xE880;
	[sflag:s30] =	ssyncadd.s32 $0xFFFFC000  }
.LBB2_16:
0x11d: {  	[hbm4b:s1+s5] =	stream.linear.scatter [tilespmem:s7], [sflag:$0x7], $0x40, $0x38;
	[tilespmem:$0x16800] =	vst v63  }
0x11e: {  	s1 =	smov.u32 s15;
	s7 =	smov.u32 s16;
	p0 =	sne.s32 s15, $0x3F8  }
.Ltmp7:
0x11f: {  	s15 =	sadd.s32 $0x8, s15;
	(pc) =	sbr.rel @p0 .LBB2_16-.Ltmp7, $2  }
0x120: {  	_ =	sdelay $0x2  }
0x121: {  	s16 =	sadd.s32 $0x80, s16;
	s1 =	sadd.s32 s1, s13  }
0x122: {  	[hbm4b:s1+s5] =	stream.linear.scatter [tilespmem:s7], [sflag:$0x7], $0x40, $0x38;
	[tilespmem:$0x16800] =	vst v63  }
0x123: {  	_ =	swait.ge [sflag:s2], $0x4000  }
0x124: {  	s7 =	simm.s32 $0x12800;
	s15 =	simm.s32 $0x8;
	[sflag:s2] =	ssyncset.done $0x0  }
0x125: {  	s1 =	sadd.s32 $0x0, s14;
	s16 =	simm.s32 $0x12880;
	[sflag:s2] =	ssyncadd.s32 $0xFFFFC000  }
.LBB2_18:
0x126: {  	[hbm4b:s1+s5] =	stream.linear.scatter [tilespmem:s7], [sflag:$0x8], $0x40, $0x38;
	[tilespmem:$0x16800] =	vst v63  }
0x127: {  	s1 =	smov.u32 s15;
	s7 =	smov.u32 s16;
	p0 =	sne.s32 s15, $0x3F8  }
.Ltmp8:
0x128: {  	s15 =	sadd.s32 $0x8, s15;
	(pc) =	sbr.rel @p0 .LBB2_18-.Ltmp8, $2  }
0x129: {  	_ =	sdelay $0x2  }
0x12a: {  	s16 =	sadd.s32 $0x80, s16;
	s1 =	sadd.s32 s1, s14  }
0x12b: {  	[hbm4b:s1+s5] =	stream.linear.scatter [tilespmem:s7], [sflag:$0x8], $0x40, $0x38;
	[tilespmem:$0x16800] =	vst v63  }
0x12c: {  	_ =	swait.ge [sflag:s26], $0x2000  }
0x12d: {  	[sflag:s26] =	ssyncset.done $0x0  }
0x12e: {  	[sflag:s26] =	ssyncadd.s32 $0xFFFFE000  }
0x12f: {  	_ =	swait.ge [sflag:s29], $0x2000  }
0x130: {  	[sflag:s29] =	ssyncset.done $0x0  }
0x131: {  	[sflag:s29] =	ssyncadd.s32 $0xFFFFE000  }
0x132: {  	_ =	swait.ge [sflag:s31], $0x2000  }
0x133: {  	[sflag:s31] =	ssyncset.done $0x0  }
0x134: {  	[sflag:s31] =	ssyncadd.s32 $0xFFFFE000  }
0x135: {  	_ =	swait.ge [sflag:s0], $0x2000  }
0x136: {  	s21 =	rddreg [dreg:$0x7]  }
0x137: {  	s23 =	rddreg [dreg:$0x6];
	s7 =	sadd.s32 $0x1, s21  }
0x138: {  	p0 =	sne.s32 s7, s23  }
.Ltmp9:
0x139: {  	_ = 	snop;
	(pc) =	sbr.rel @p0 .LBB2_1-.Ltmp9, $3  }
0x13a: {  	_ =	sdelay $0x1  }
0x13b: {  	[sflag:s0] =	ssyncset.done $0x0  }
0x13c: {  	[sflag:s0] =	ssyncadd.s32 $0xFFFFE000  }
0x13d: {  	_ =	sfence.sel $0x180000  }
0x13e: {  	[bflag:$0x0] =	sbarrier.arrive $0xFFFF  }
0x13f: {  	_ =	strace $0x90000047  }
0x140: {  	s0 =	stileid.u32;
	[bflag:$0x2] =	sbarrier.arrive $0xFFFF  }
0x141: {  	p0 =	sne.s32 s0, $0x0;
	s0 =	rddreg [dreg:$0x4]  }
0x142: {  	s0 =	sadd.s32 @!p0 $0x100000, s0  }
0x143: {  	[sflag:s0] =	ssyncadd.tile.s32 @!p0 $0x1;
	_ =	shalt  }
.Lfunc_end2:
_tile_overlayer_lowered:
.L_overlay_start_2:
0x144: {  	(tag) =	ssettag $0x2  }
0x145: {  	s0 =	rddreg [dreg:$0x0];
	s2 =	stileid.u32  }
0x146: {  	s1 =	rddreg [dreg:$0x1];
	p0 =	sne.s32 s2, $0x0  }
0x147: {  	s3 =	rddreg [dreg:$0x2];
	[bflag:$0x3] =	sbarrier.arrive $0xFFFF;
	s2 =	simm.s32 @!p0 $0x1C09  }
0x148: {  	[timem:s3], [sflag:s2] =	dma.local @!p0 [hbm:s0], s1  }
0x149: {  	s0 =	simm.s32 @!p0 $0x9  }
0x14a: {  	_ =	swait.ge @!p0 [sflag:s0], s1  }
0x14b: {  	s1 =	ssub.s32 @!p0 $0x0, s1;
	[sflag:s0] =	ssyncset.done @!p0 $0x0  }
0x14c: {  	[sflag:s0] =	ssyncadd.s32 @!p0 s1  }
0x14d: {  	[bflag:$0x3] =	sbarrier.arrive $0xFFFF  }
0x14e: {  	_ =	shalt  }

// kernel: sparse-core-data-format-call.cloned.1.call-start
scs
called_computation_lowered:
.L_overlay_start_0:
0x0: {  	s2 =	sld [smem:$0x3FD9]  }
0x1: {  	s3 =	sld [smem:$0x3FFE];
	_ =	sdelay $0x1  }
0x2: {  	s1 =	srdreg.scid  }
0x3: {  	s0 =	sand.u32 $0x1, s1  }
0x4: {  	s18 =	sshll.u32 s0, $0xA;
	s2 =	sadd.s32 s3, s2  }
0x5: {  	s2 =	sadd.s32 s2, s18  }
0x6: {  	[smem:$0x3FC5] =	sst s2  }
0x7: {  	_ = 	snop  }
0x8: {  	s2 =	sld [smem:$0x3FD0];
	(tm) =	ssettm $0x1  }
0x9: {  	s19 =	sld [smem:$0x3FFB];
	_ =	sdelay $0x3  }
0xa: {  	_ =	strace s19  }
0xb: {  	s3 =	sld [smem:$0x3FFC];
	_ =	sdelay $0x3  }
0xc: {  	_ =	strace s3  }
0xd: {  	s3 =	sld [smem:$0x3FFD];
	_ =	sdelay $0x3  }
0xe: {  	_ =	strace s3  }
0xf: {  	_ =	strace $0x8FFFFFFF  }
0x10: {  	s20 =	sld [smem:$0x3FDB];
	_ =	sdelay $0x1  }
0x11: {  	s4 =	simm.s32 $_scs_section_size  }
0x12: {  	s5 =	simm.s32 $_size__tile_overlayer_lowered;
	s6 =	simm.s32 $_tile_overlayer_lowered  }
0x13: {  	s23 =	simm.s32 $0x1BFF;
	s22 =	sshll.u32 s6, $0x1;
	s3 =	sadd.s32 s4, s20  }
0x14: {  	s7 =	simm.s32 $0x0;
	s21 =	sshll.u32 s5, $0x1;
	s5 =	sadd.s32 s22, s3  }
0x15: {  	[timem:s7], [sflag:s23] =	dma.local [hbm:s5], s21  }
0x16: {  	_ =	swait.ge [sflag:s23], s21  }
0x17: {  	s4 =	ssub.s32 $0x0, s21;
	[sflag:s23] =	ssyncset.done $0x0  }
0x18: {  	[sflag:s23] =	ssyncadd.s32 s4;
	_ =	sdelay $0x1  }
0x19: {  	s24 =	simm.s32 $0x1B8B  }
0x1a: {  	_ =	swait.ge [sflag:s24], $0x1  }
0x1b: {  	[sflag:s24] =	ssyncset.done $0x0  }
0x1c: {  	s26 =	simm.s32 $0x1B8E;
	s25 =	sld [smem:$0x3FFE];
	[sflag:s24] =	ssyncadd.s32 $0xFFFFFFFF  }
0x1d: {  	s27 =	simm.s32 $execute0_lowered;
	[smem:$0x3FD2] =	sst s26  }
0x1e: {  	s5 =	sshll.u32 s27, $0x1;
	_ =	strace $0x80000049;
	[dreg:$0x1] =	wrdreg $0xFFFFFFFF  }
0x1f: {  	s28 =	simm.s32 $_size_execute0_lowered;
	s3 =	sadd.s32 s3, s5;
	[dreg:$0x0] =	wrdreg $0x0  }
0x20: {  	s5 =	sshll.u32 s28, $0x1;
	[dreg:$0x2] =	wrdreg s3  }
0x21: {  	[dreg:$0x3] =	wrdreg s5  }
0x22: {  	[dreg:$0x4] =	wrdreg $0xC0  }
0x23: {  	_ =	task [dreg:s7], $0x5FFFF  }
0x24: {  	[dreg:$0x1] =	wrdreg $0xFFFFFFFF  }
0x25: {  	[dreg:$0x0] =	wrdreg $0x60  }
0x26: {  	[dreg:$0x2] =	wrdreg s25  }
0x27: {  	[dreg:$0x3] =	wrdreg s2  }
0x28: {  	[dreg:$0x4] =	wrdreg $0x9  }
0x29: {  	_ =	task.clear_ibuf [dreg:s7], $0x5FFFF;
	_ =	strace $0x90000049  }
0x2a: {  	s29 =	simm.s32 $0x9;
	_ =	strace $0x8000004B  }
0x2b: {  	_ =	swait.ge [sflag:s29], $0x1  }
0x2c: {  	[sflag:s29] =	ssyncadd.s32 $0xFFFFFFFF  }
0x2d: {  	_ =	strace $0x9000004B  }
0x2e: {  	_ =	sfence  }
0x2f: {  	s30 =	sld [smem:$0x0];
	_ =	sdelay $0x2  }
0x30: {  	s31 =	sshll.u32 s1, $0xD;
	s1 =	sshrl.u32 s1, $0x2  }
0x31: {  	s3 =	sand.u32 $0x4000, s31;
	s1 =	sadd.s32 s1, s30  }
0x32: {  	s0 =	sor.u32 s3, s0;
	s1 =	sshll.u32 s1, $0x11  }
0x33: {  	s0 =	sor.u32 s1, s0  }
0x34: {  	s0 =	sadd.s32 $0x8F2B, s0  }
0x35: {  	[sflag:s0] =	ssyncadd.remote.s32 $0x1  }
0x36: {  	_ =	sfence.sel $0xFFFF  }
0x37: {  	[dreg:$0x0] =	wrdreg $0xFFFFFFFF;
	(pc) =	sbr.abs _section_cstart, $3  }
0x38: {  	[dreg:$0x1] =	wrdreg $0xFFFFFFFF  }
0x39: {  	_ =	task.clear_ibuf [dreg:s7], $0x2FFFF;
	_ =	strace $0x9FFFFFFF  }
0x3a: {  	(tm) =	ssettm $0x7FFFFFFF  }
0x3b: {  	_ =	shalt  }
tec
execute0_lowered:
.L_overlay_start_1:
0x0: {  	(tag) =	ssettag $0x1  }
0x1: {  	s0 =	srdreg.scid  }
0x2: {  	s1 =	sshll.u32 s0, $0x4  }
0x3: {  	s4 =	rddreg [dreg:$0x0];
	s0 =	stileid.u32;
	s1 =	sand.u32 $0x10, s1  }
0x4: {  	s2 =	rddreg [dreg:$0x1];
	s7 =	simm.s32 $0x1;
	s1 =	sor.u32 s0, s1  }
0x5: {  	s8 =	simm.s32 $0x2;
	s11 =	simm.s32 $0x0;
	s3 =	sshll.u32 s1, $0x7  }
0x6: {  	s10 =	simm.s32 $0x0;
	s4 =	sadd.s32 $0x800, s4;
	s6 =	ssub.s32 $0x68000, s3  }
.Ltmp0:
0x7: {  	s1 =	rddreg [dreg:$0x2];
	s5 =	sand.u32 $0xF80, s6;
	(pc) =	sbr.rel .LBB1_1-.Ltmp0, $4  }
0x8: {  	_ =	strace $0x8000004A;
	s9 =	smov.u32 s3;
	p0 =	sne.s32 s5, $0x0  }
0x9: {  	s6 =	sshrl.u32 s6, $0xC;
	s5 =	simm.s32 $0x1;
	s7 =	simm.s32 @!p0 $0x0  }
0xa: {  	[sflag:s5] =	ssyncpa.u1 $0x0;
	p0 =	por $0x0, $0x0;
	s6 =	sadd.s32 s7, s6  }
0xb: {  	[sflag:s8] =	ssyncpa.u1 $0x0;
	s8 =	simm.s32 $0x340000;
	s7 =	sadd.s32 $0x1, s6  }
.LBB1_4:
0xc: {  	s14 =	sshll.u32 s11, $0x3  }
0xd: {  	s30 =	sand.u32 $0x7F, s11;
	s15 =	sand.u32 $0xFFFFFC00, s14  }
0xe: {  	s11 =	sor.u32 s30, s15  }
0xf: {  	s15 =	smulhi.u32 $0x4EC4EC4F, s11  }
0x10: {  	s14 =	smulhi.u32 $0x4EC4EC4F, s14  }
0x11: {  	s15 =	sshrl.u32 s15, $0x11  }
0x12: {  	s14 =	sshrl.u32 s14, $0x11;
	s15 =	smul.u32 $0x68000, s15  }
0x13: {  	s14 =	sand.u32 $0x3F, s14  }
0x14: {  	s14 =	smul.u32 $0xD000, s14;
	s11 =	ssub.s32 s11, s15  }
0x15: {  	[tilespmem:s13+$0x810 ss:$0x81] =	vst.msk $0xffff, v2;
	s15 =	sand.u32 $0x7, s11  }
0x16: {  	[tilespmem:s13+$0x1020 ss:$0x81] =	vst.msk $0xffff, v0;
	s14 =	sadd.s32 s2, s14;
	s11 =	sshrl.u32 s11, $0x3;
	s15 =	sshll.u32 s15, $0x12  }
0x17: {  	[tilespmem:s13+$0x0 ss:$0x81] =	vst.msk $0xffff, v1;
	s11 =	sadd.s32 s11, s14;
	s31 =	sor.u32 $0x400, s15  }
0x18: {  	[hbm4b:s11+s31] =	stream.strided.scatter [tilespmem:s12], [sflag:$0x2], $0x2000, s8, s31, $0x20;
	[tilespmem:$0x8080] =	vst v63  }
.LBB1_5:
0x19: {  	s13 =	sadd.s32 $0x1000, s9  }
0x1a: {  	p2 =	sgt.s32 s13, $0x67FFF  }
0x1b: {  	s13 =	smov.u32 @p2 s3;
	p2 =	sne.s32 s10, s7  }
.Ltmp1:
0x1c: {  	p1 =	slt.u32 s10, $0x2;
	(pc) =	sbr.rel @!p2 .LBB1_6-.Ltmp1, $4  }
0x1d: {  	s12 =	simm.s32 @!p1 $0x2  }
0x1e: {  	s14 =	sadd.s32 $0x1, s10;
	_ =	swait.ge @!p1 [sflag:s12], $0x2000  }
0x1f: {  	s11 =	smov.u32 s9;
	p0 =	por !p0, !p0;
	[sflag:s12] =	ssyncset.done @!p1 $0x0  }
0x20: {  	s10 =	smov.u32 s14;
	s9 =	smov.u32 s13;
	[sflag:s12] =	ssyncadd.s32 @!p1 $0xFFFFE000  }
.LBB1_1:
0x21: {  	p1 =	sge.u32 s10, s6  }
0x22: {  	s12 =	sand.u32 @!p1 $0x1FFFFFF, s9  }
0x23: {  	s13 =	smulhi.u32 @!p1 $0x2762763, s12;
	_ =	sdelay $0x1  }
0x24: {  	s13 =	sshrl.u32 @!p1 s13, $0xC  }
0x25: {  	s13 =	smul.u32 @!p1 $0x68000, s13;
	_ =	sdelay $0x1  }
0x26: {  	s31 =	sadd.s32 $0xFFFFFFFF, s10;
	s14 =	sxor.u32 @!p1 $0xFFFFFFFF, s10;
	s12 =	ssub.s32 @!p1 s12, s13  }
0x27: {  	s15 =	simm.s32 @!p1 $0x80;
	s14 =	sshll.u32 @!p1 s14, $0xD;
	s12 =	sshll.u32 @!p1 s12, $0x4  }
0x28: {  	s13 =	sand.u32 @!p1 $0x2000, s14;
	s14 =	simm.s32 @!p1 $0x40;
	s12 =	sadd.s32 @!p1 s4, s12  }
0x29: {  	[tilespmem:s13], [sflag:$0x1] =	stream.strided.gather @!p1 [hbm4b:s12+s14], $0x2000, s15, s14, $0x38;
	[tilespmem:$0x8080] =	vst v63  }
0x2a: {  	p1 =	sge.u32 s31, s6  }
.Ltmp2:
0x2b: {  	_ = 	snop;
	(pc) =	sbr.rel @p1 .LBB1_5-.Ltmp2, $1  }
0x2c: {  	_ =	sdelay $0x3  }
0x2d: {  	s12 =	simm.s32 $0x1  }
0x2e: {  	_ =	swait.ge [sflag:s5], $0x2000;
	s12 =	simm.s32 @!p0 $0x0  }
0x2f: {  	[sflag:s5] =	ssyncset.done $0x0;
	s13 =	sshll.u32 s12, $0xD  }
0x30: {  	[sflag:s5] =	ssyncadd.s32 $0xFFFFE000;
	s16 =	sor.u32 $0x20, s13  }
0x31: {  	s12 =	smul.u32 $0x8100, s12;
	v3 =	vld [tilespmem:s16+$0x10]  }
0x32: {  	s30 =	sand.u32 $0x1, s10;
	v2 =	vld [tilespmem:s16+$0xFFFFFFF0]  }
0x33: {  	s13 =	smul.u32 $0x8100, s30;
	s12 =	sshrl.u32 s12, $0x2;
	v0 =	vld [tilespmem:s16+$0x0]  }
0x34: {  	v1 =	vld [tilespmem:s16+$0xFFFFFFE0];
	s14 =	sor.u32 $0x4000, s12  }
0x35: {  	s31 =	sshrl.u32 s13, $0x2;
	s13 =	sadd.s32 $0x0, s14  }
0x36: {  	s15 =	simm.s32 $0x4;
	s16 =	sadd.s32 $0x40, s16;
	s12 =	sor.u32 $0x4000, s31;
	[tilespmem:s13+$0x1830 ss:$0x81] =	vst.msk $0xffff, v3  }
.LBB1_3:
0x37: {  	v3 =	vld [tilespmem:s16+$0x10];
	p1 =	sne.s32 s15, $0x1FC;
	[tilespmem:s13+$0x810 ss:$0x81] =	vst.msk $0xffff, v2;
	s17 =	smov.u32 s15;
	s15 =	sadd.s32 $0x4, s15  }
.Ltmp3:
0x38: {  	v2 =	vld [tilespmem:s16+$0xFFFFFFF0];
	[tilespmem:s13+$0x1020 ss:$0x81] =	vst.msk $0xffff, v0;
	(pc) =	sbr.rel @p1 .LBB1_3-.Ltmp3, $4  }
0x39: {  	v0 =	vld [tilespmem:s16+$0x0];
	[tilespmem:s13+$0x0 ss:$0x81] =	vst.msk $0xffff, v1  }
0x3a: {  	s13 =	sshra.s32 s17, $0x2;
	v1 =	vld [tilespmem:s16+$0xFFFFFFE0]  }
0x3b: {  	s13 =	sadd.s32 s13, s14  }
0x3c: {  	s16 =	sadd.s32 $0x40, s16;
	[tilespmem:s13+$0x1830 ss:$0x81] =	vst.msk $0xffff, v3  }
.Ltmp4:
0x3d: {  	_ = 	snop;
	(pc) =	sbr.rel .LBB1_4-.Ltmp4, $1  }
0x3e: {  	_ =	sdelay $0x3  }
.LBB1_6:
0x3f: {  	_ =	sfence.sel $0x180000  }
0x40: {  	s2 =	simm.s32 $0x1;
	[bflag:$0x0] =	sbarrier.arrive $0xFFFF  }
0x41: {  	s31 =	simm.s32 $0x2;
	[sflag:s2] =	ssyncpa.u1 $0x1  }
0x42: {  	[sflag:s31] =	ssyncpa.u1 $0x1  }
0x43: {  	p0 =	sne.s32 s0, $0x0;
	_ =	strace $0x9000004A  }
0x44: {  	s0 =	sadd.s32 @!p0 $0x100000, s1;
	[bflag:$0x2] =	sbarrier.arrive $0xFFFF  }
0x45: {  	[sflag:s0] =	ssyncadd.tile.s32 @!p0 $0x1;
	_ =	shalt  }
.Lfunc_end1:
_tile_overlayer_lowered:
.L_overlay_start_2:
0x46: {  	(tag) =	ssettag $0x2  }
0x47: {  	s0 =	rddreg [dreg:$0x0];
	s2 =	stileid.u32  }
0x48: {  	s1 =	rddreg [dreg:$0x1];
	p0 =	sne.s32 s2, $0x0  }
0x49: {  	s3 =	rddreg [dreg:$0x2];
	[bflag:$0x3] =	sbarrier.arrive $0xFFFF;
	s2 =	simm.s32 @!p0 $0x1C01  }
0x4a: {  	[timem:s3], [sflag:s2] =	dma.local @!p0 [hbm:s0], s1  }
0x4b: {  	s0 =	simm.s32 @!p0 $0x1  }
0x4c: {  	_ =	swait.ge @!p0 [sflag:s0], s1  }
0x4d: {  	s1 =	ssub.s32 @!p0 $0x0, s1;
	[sflag:s0] =	ssyncset.done @!p0 $0x0  }
0x4e: {  	[sflag:s0] =	ssyncadd.s32 @!p0 s1  }
0x4f: {  	[bflag:$0x3] =	sbarrier.arrive $0xFFFF  }
0x50: {  	_ =	shalt  }

</sc_bundles>
